<compile_context>
chip_gen: v7x
topology: tpu7x:2x2x1
jax: 0.10.2.dev20260603
libtpu: 0.0.44.dev20260713+nightly
codegen_flags: <defaults>
</compile_context>

<pallas_src>
import functools

import jax
import jax.numpy as jnp
from jax import lax
from jax.experimental import pallas as pl
from jax.experimental.pallas import tpu as pltpu
from jax.experimental.pallas import tpu_sc as plsc

B, S, D = 4096, 50, 300
V = 100000
H, C = 256, 5
DP = 384
NC, NS, L = 2, 16, 16
NW = NC * NS
BPW = B // NW
NIDX = BPW * S

WIN = list(range(0, 304, L))
ZWIN = [304, 320, 336, 352, 368]


def _pool_body(x_hbm, emb_hbm, c2_hbm, out_hbm, idx_f, idx_b0, idx_b1,
               buf0, buf1, acc_v, sem0, sem1):
    wid = lax.axis_index("s") * NC + lax.axis_index("c")
    base = wid * BPW
    pltpu.sync_copy(x_hbm.at[pl.ds(base * S, NIDX)], idx_f.at[pl.ds(0, NIDX)])

    def issue(b, idx_b, buf, sem):
        for o in (0, 16, 32, 34):
            idx_b[pl.ds(o, L)] = idx_f[pl.ds(b * S + o, L)]
        pltpu.async_copy(emb_hbm.at[idx_b, pl.ds(0, 128)],
                         buf.at[:, pl.ds(0, 128)], sem)
        pltpu.async_copy(emb_hbm.at[idx_b, pl.ds(128, 128)],
                         buf.at[:, pl.ds(128, 128)], sem)
        pltpu.async_copy(c2_hbm.at[idx_b, pl.ds(0, 128)],
                         buf.at[:, pl.ds(256, 128)], sem)

    def wait_all(idx_b, buf, sem):
        pltpu.make_async_copy(emb_hbm.at[idx_b, pl.ds(0, 128)],
                              buf.at[:, pl.ds(0, 128)], sem).wait()
        pltpu.make_async_copy(emb_hbm.at[idx_b, pl.ds(128, 128)],
                              buf.at[:, pl.ds(128, 128)], sem).wait()
        pltpu.make_async_copy(c2_hbm.at[idx_b, pl.ds(0, 128)],
                              buf.at[:, pl.ds(256, 128)], sem).wait()

    zeros = jnp.zeros((L,), jnp.float32)

    def accumulate(b, buf):
        def tbody(t, acc):
            return tuple(a + buf[t, pl.ds(o, L)] for a, o in zip(acc, WIN))

        acc = lax.fori_loop(0, S, tbody,
                            tuple(jnp.zeros((L,), jnp.float32) for _ in WIN))
        inv = jnp.float32(1.0 / S)
        for a, o in zip(acc, WIN):
            acc_v[b, pl.ds(o, L)] = a * inv
        for o in ZWIN:
            acc_v[b, pl.ds(o, L)] = zeros

    issue(0, idx_b0, buf0, sem0)
    issue(1, idx_b1, buf1, sem1)

    def loop_body(i, carry):
        b = i * 2
        wait_all(idx_b0, buf0, sem0)
        accumulate(b, buf0)

        @pl.when(b + 2 < BPW)
        def _():
            issue(b + 2, idx_b0, buf0, sem0)

        wait_all(idx_b1, buf1, sem1)
        accumulate(b + 1, buf1)

        @pl.when(b + 3 < BPW)
        def _():
            issue(b + 3, idx_b1, buf1, sem1)

        return carry

    lax.fori_loop(0, BPW // 2, loop_body, 0)
    pltpu.sync_copy(acc_v, out_hbm.at[pl.ds(base, BPW)])


_pool = functools.partial(
    pl.kernel,
    out_type=jax.ShapeDtypeStruct((B, DP), jnp.float32),
    mesh=plsc.VectorSubcoreMesh(core_axis_name="c", subcore_axis_name="s"),
    scratch_types=[
        pltpu.VMEM((NIDX + L,), jnp.int32),
        pltpu.VMEM((S,), jnp.int32),
        pltpu.VMEM((S,), jnp.int32),
        pltpu.VMEM((S, DP), jnp.float32),
        pltpu.VMEM((S, DP), jnp.float32),
        pltpu.VMEM((BPW, DP), jnp.float32),
        pltpu.SemaphoreType.DMA,
        pltpu.SemaphoreType.DMA,
    ],
    compiler_params=pltpu.CompilerParams(use_tc_tiling_on_sc=True),
)(_pool_body)


def _mlp_body(p_ref, w1t_ref, b1_ref, w2t_ref, b2_ref, o_ref):
    z = jnp.dot(p_ref[...], w1t_ref[...], preferred_element_type=jnp.float32)
    z = jnp.maximum(z + b1_ref[...], 0.0)
    o_ref[...] = jnp.dot(z, w2t_ref[...], preferred_element_type=jnp.float32) + b2_ref[...]


def kernel(x, emb, W1, b1, W2, b2):
    xi = x.astype(jnp.int32)
    c2p = jnp.concatenate([emb[:, 256:], jnp.zeros((V, 128 - (D - 256)), jnp.float32)], axis=1)
    pooled = _pool(xi.reshape(-1), emb, c2p)
    w1t = jnp.pad(W1.T, ((0, DP - D), (0, 0)))
    return pl.pallas_call(
        _mlp_body,
        out_shape=jax.ShapeDtypeStruct((B, C), jnp.float32),
    )(pooled, w1t, b1.reshape(1, H), W2.T, b2.reshape(1, C))

# --- scband reference (transcript-rebuilt; emitter-appended) ---
"""Pipeline reference for scband-text-classifier-2104533975261 (READ-ONLY COPY).

The authoritative reference and input builder live on the scoring server;
editing this copy changes nothing except your own understanding.
"""

import jax, jax.numpy as jnp
import numpy as np

VOCAB = 100000
EMBED = 300
HIDDEN = 256
NUM_CLASSES = 5
BATCH = 4096
SEQ = 50


def setup_inputs(seed: int = 0) -> dict:
    key = jax.random.key(seed)
    k1, k2, k3, k4 = jax.random.split(key, 4)
    x = jax.random.randint(k1, (BATCH, SEQ), 0, VOCAB, dtype=jnp.int64 if jax.config.read('jax_enable_x64') else jnp.int32)
    emb = jax.random.normal(k2, (VOCAB, EMBED), dtype=jnp.float32) * 0.02
    W1 = jax.random.normal(k3, (HIDDEN, EMBED), dtype=jnp.float32) * 0.05
    b1 = jnp.zeros((HIDDEN,), dtype=jnp.float32)
    W2 = jax.random.normal(k4, (NUM_CLASSES, HIDDEN), dtype=jnp.float32) * 0.05
    b2 = jnp.zeros((NUM_CLASSES,), dtype=jnp.float32)
    return {"x": x, "emb": emb, "W1": W1, "b1": b1, "W2": W2, "b2": b2}


def reference(x, emb, W1, b1, W2, b2):
    # nn.Embedding -> row gather
    e = jnp.take(emb, x, axis=0)            # [B, S, EMBED]
    h = jnp.mean(e, axis=1)                  # [B, EMBED]
    h = h @ W1.T + b1                        # fc: Linear(EMBED, 256)
    h = jax.nn.relu(h)
    out = h @ W2.T + b2                      # fc2: Linear(256, NUM_CLASSES)
    return out

if __name__ == "__main__":
    import jax
    _d = setup_inputs()
    print(jax.jit(kernel)(*tuple(_d.values())))

</pallas_src>

<mosaic_0001>
#map = affine_map<(d0, d1) -> (0)>
#map1 = affine_map<(d0, d1) -> (0, 0)>
module attributes {stable_mosaic.version = 14 : i64} {
  func.func @_pool_body(%arg0: i32, %arg1: i32, %arg2: memref<204800xi32, #tpu.memory_space<hbm>>, %arg3: memref<100000x300xf32, #tpu.memory_space<hbm>>, %arg4: memref<100000x128xf32, #tpu.memory_space<hbm>>, %arg5: memref<4096x384xf32, #tpu.memory_space<hbm>>, %arg6: memref<6416xi32, #tpu.memory_space<vmem>>, %arg7: memref<50xi32, #tpu.memory_space<vmem>>, %arg8: memref<50xi32, #tpu.memory_space<vmem>>, %arg9: memref<50x384xf32, #tpu.memory_space<vmem>>, %arg10: memref<50x384xf32, #tpu.memory_space<vmem>>, %arg11: memref<128x384xf32, #tpu.memory_space<vmem>>, %arg12: memref<!tpu.dma_semaphore, #tpu.memory_space<semaphore_mem>>, %arg13: memref<!tpu.dma_semaphore, #tpu.memory_space<semaphore_mem>>) attributes {dimension_semantics = [#tpu.dimension_semantics<core_parallel>, #tpu.dimension_semantics<subcore_parallel>], iteration_bounds = array<i64: 2, 16>, scalar_prefetch = 0 : i64, scratch_operands = 8 : i64, tpu.core_type = #tpu.core_type<sc_vector_subcore>, window_params = [{transform_indices = #map}, {transform_indices = #map1}, {transform_indices = #map1}, {transform_indices = #map1}]} {
    %mul3A = arith.constant 2 : i32
    %mul3A_0 = arith.muli %arg1, %mul3A : i32
    %add3A = arith.addi %mul3A_0, %arg0 : i32
    %mul3A_1 = arith.constant 128 : i32
    %mul3A_2 = arith.muli %add3A, %mul3A_1 : i32
    %mul3A_3 = arith.constant 50 : i32
    %mul3A_4 = arith.muli %mul3A_2, %mul3A_3 : i32
    "tpu.region"() ({
      %run_scoped3A = tpu.sem_alloc : memref<!tpu.dma_semaphore, #tpu.memory_space<semaphore_mem>>
      %dma_start3A_100 = arith.constant 0 : i32
      %dma_start3A_101 = tpu.memref_slice %arg6[%dma_start3A_100] : memref<6416xi32, #tpu.memory_space<vmem>> -> memref<6400xi32, #tpu.memory_space<vmem>>
      %dma_start3A_102 = tpu.memref_slice %arg2[%mul3A_4] : memref<204800xi32, #tpu.memory_space<hbm>> -> memref<6400xi32, #tpu.memory_space<hbm>>
      %dma_start3A_103 = arith.constant 0 : i32
      %dma_start3A_104 = tpu.memref_slice %arg6[%dma_start3A_103] : memref<6416xi32, #tpu.memory_space<vmem>> -> memref<6400xi32, #tpu.memory_space<vmem>>
      %dma_start3A_105 = tpu.memref_slice %arg2[%mul3A_4] : memref<204800xi32, #tpu.memory_space<hbm>> -> memref<6400xi32, #tpu.memory_space<hbm>>
      tpu.enqueue_dma source(%dma_start3A_105 : memref<6400xi32, #tpu.memory_space<hbm>>) target(%dma_start3A_104 : memref<6400xi32, #tpu.memory_space<vmem>>) target_semaphore(%run_scoped3A : memref<!tpu.dma_semaphore, #tpu.memory_space<semaphore_mem>>)
      %dma_wait3A = arith.constant 0 : i32
      %dma_wait3A_106 = tpu.memref_slice %arg6[%dma_wait3A] : memref<6416xi32, #tpu.memory_space<vmem>> -> memref<6400xi32, #tpu.memory_space<vmem>>
      %dma_wait3A_107 = tpu.memref_slice %arg2[%mul3A_4] : memref<204800xi32, #tpu.memory_space<hbm>> -> memref<6400xi32, #tpu.memory_space<hbm>>
      %dma_wait3A_108 = arith.constant 0 : i32
      %dma_wait3A_109 = tpu.memref_slice %arg6[%dma_wait3A_108] : memref<6416xi32, #tpu.memory_space<vmem>> -> memref<6400xi32, #tpu.memory_space<vmem>>
      %dma_wait3A_110 = tpu.memref_slice %arg2[%mul3A_4] : memref<204800xi32, #tpu.memory_space<hbm>> -> memref<6400xi32, #tpu.memory_space<hbm>>
      tpu.wait_dma2 semaphore(%run_scoped3A : memref<!tpu.dma_semaphore, #tpu.memory_space<semaphore_mem>>) src(%dma_wait3A_110 : memref<6400xi32, #tpu.memory_space<hbm>>) dst(%dma_wait3A_109 : memref<6400xi32, #tpu.memory_space<vmem>>)
      tpu.yield
    }) : () -> ()
    %broadcast_in_dim3A = arith.constant 0.000000e+00 : f32
    %broadcast_in_dim3A_5 = vector.broadcast %broadcast_in_dim3A : f32 to vector<16xf32>
    %get3A = arith.constant 0 : index
    %get3A_6 = tpu.vector_load %arg6[%get3A] {strides = array<i32>} : memref<6416xi32, #tpu.memory_space<vmem>>, vector<16xi32>,
    %get3A_7 = vector.shape_cast %get3A_6 : vector<16xi32> to vector<16xi32>
    %swap3A = arith.constant 0 : index
    %swap3A_8 = tpu.vector_load %arg7[%swap3A] {strides = array<i32>} : memref<50xi32, #tpu.memory_space<vmem>>, vector<16xi32>,
    %swap3A_9 = vector.shape_cast %swap3A_8 : vector<16xi32> to vector<16xi32>
    %swap3A_10 = vector.shape_cast %get3A_7 : vector<16xi32> to vector<16xi32>
    tpu.vector_store %arg7[%swap3A], %swap3A_10 {strides = array<i32>} : memref<50xi32, #tpu.memory_space<vmem>>, vector<16xi32>,
    %get3A_11 = arith.constant 16 : index
    %get3A_12 = tpu.vector_load %arg6[%get3A_11] {strides = array<i32>} : memref<6416xi32, #tpu.memory_space<vmem>>, vector<16xi32>,
    %get3A_13 = vector.shape_cast %get3A_12 : vector<16xi32> to vector<16xi32>
    %swap3A_14 = arith.constant 16 : index
    %swap3A_15 = tpu.vector_load %arg7[%swap3A_14] {strides = array<i32>} : memref<50xi32, #tpu.memory_space<vmem>>, vector<16xi32>,
    %swap3A_16 = vector.shape_cast %swap3A_15 : vector<16xi32> to vector<16xi32>
    %swap3A_17 = vector.shape_cast %get3A_13 : vector<16xi32> to vector<16xi32>
    tpu.vector_store %arg7[%swap3A_14], %swap3A_17 {strides = array<i32>} : memref<50xi32, #tpu.memory_space<vmem>>, vector<16xi32>,
    %get3A_18 = arith.constant 32 : index
    %get3A_19 = tpu.vector_load %arg6[%get3A_18] {strides = array<i32>} : memref<6416xi32, #tpu.memory_space<vmem>>, vector<16xi32>,
    %get3A_20 = vector.shape_cast %get3A_19 : vector<16xi32> to vector<16xi32>
    %swap3A_21 = arith.constant 32 : index
    %swap3A_22 = tpu.vector_load %arg7[%swap3A_21] {strides = array<i32>} : memref<50xi32, #tpu.memory_space<vmem>>, vector<16xi32>,
    %swap3A_23 = vector.shape_cast %swap3A_22 : vector<16xi32> to vector<16xi32>
    %swap3A_24 = vector.shape_cast %get3A_20 : vector<16xi32> to vector<16xi32>
    tpu.vector_store %arg7[%swap3A_21], %swap3A_24 {strides = array<i32>} : memref<50xi32, #tpu.memory_space<vmem>>, vector<16xi32>,
    %get3A_25 = arith.constant 34 : index
    %get3A_26 = tpu.vector_load %arg6[%get3A_25] {strides = array<i32>} : memref<6416xi32, #tpu.memory_space<vmem>>, vector<16xi32>,
    %get3A_27 = vector.shape_cast %get3A_26 : vector<16xi32> to vector<16xi32>
    %swap3A_28 = arith.constant 34 : index
    %swap3A_29 = tpu.vector_load %arg7[%swap3A_28] {strides = array<i32>} : memref<50xi32, #tpu.memory_space<vmem>>, vector<16xi32>,
    %swap3A_30 = vector.shape_cast %swap3A_29 : vector<16xi32> to vector<16xi32>
    %swap3A_31 = vector.shape_cast %get3A_27 : vector<16xi32> to vector<16xi32>
    tpu.vector_store %arg7[%swap3A_28], %swap3A_31 {strides = array<i32>} : memref<50xi32, #tpu.memory_space<vmem>>, vector<16xi32>,
    %dma_start3A = arith.constant 0 : i32
    %dma_start3A_32 = arith.constant 0 : i32
    %dma_start3A_33 = tpu.memref_slice %arg9[%dma_start3A, %dma_start3A_32] : memref<50x384xf32, #tpu.memory_space<vmem>> -> memref<50x128xf32, #tpu.memory_space<vmem>>
    %dma_start3A_34 = arith.constant 0 : i32
    %dma_start3A_35 = arith.constant 0 : i32
    %dma_start3A_36 = tpu.memref_slice %arg3[%dma_start3A_34, %dma_start3A_35] : memref<100000x300xf32, #tpu.memory_space<hbm>> -> memref<100000x128xf32, #tpu.memory_space<hbm>>
    tpu.enqueue_indirect_dma source(%dma_start3A_36 : memref<100000x128xf32, #tpu.memory_space<hbm>>) target(%dma_start3A_33 : memref<50x128xf32, #tpu.memory_space<vmem>>) offsets(%arg7 : memref<50xi32, #tpu.memory_space<vmem>>) semaphore(%arg12 : memref<!tpu.dma_semaphore, #tpu.memory_space<semaphore_mem>>)
    %dma_start3A_37 = arith.constant 0 : i32
    %dma_start3A_38 = arith.constant 128 : i32
    %dma_start3A_39 = tpu.memref_slice %arg9[%dma_start3A_37, %dma_start3A_38] : memref<50x384xf32, #tpu.memory_space<vmem>> -> memref<50x128xf32, #tpu.memory_space<vmem>>
    %dma_start3A_40 = arith.constant 0 : i32
    %dma_start3A_41 = arith.constant 128 : i32
    %dma_start3A_42 = tpu.memref_slice %arg3[%dma_start3A_40, %dma_start3A_41] : memref<100000x300xf32, #tpu.memory_space<hbm>> -> memref<100000x128xf32, #tpu.memory_space<hbm>>
    tpu.enqueue_indirect_dma source(%dma_start3A_42 : memref<100000x128xf32, #tpu.memory_space<hbm>>) target(%dma_start3A_39 : memref<50x128xf32, #tpu.memory_space<vmem>>) offsets(%arg7 : memref<50xi32, #tpu.memory_space<vmem>>) semaphore(%arg12 : memref<!tpu.dma_semaphore, #tpu.memory_space<semaphore_mem>>)
    %dma_start3A_43 = arith.constant 0 : i32
    %dma_start3A_44 = arith.constant 256 : i32
    %dma_start3A_45 = tpu.memref_slice %arg9[%dma_start3A_43, %dma_start3A_44] : memref<50x384xf32, #tpu.memory_space<vmem>> -> memref<50x128xf32, #tpu.memory_space<vmem>>
    %dma_start3A_46 = arith.constant 0 : i32
    %dma_start3A_47 = arith.constant 0 : i32
    %dma_start3A_48 = tpu.memref_slice %arg4[%dma_start3A_46, %dma_start3A_47] : memref<100000x128xf32, #tpu.memory_space<hbm>> -> memref<100000x128xf32, #tpu.memory_space<hbm>>
    tpu.enqueue_indirect_dma source(%dma_start3A_48 : memref<100000x128xf32, #tpu.memory_space<hbm>>) target(%dma_start3A_45 : memref<50x128xf32, #tpu.memory_space<vmem>>) offsets(%arg7 : memref<50xi32, #tpu.memory_space<vmem>>) semaphore(%arg12 : memref<!tpu.dma_semaphore, #tpu.memory_space<semaphore_mem>>)
    %get3A_49 = arith.constant 50 : index
    %get3A_50 = tpu.vector_load %arg6[%get3A_49] {strides = array<i32>} : memref<6416xi32, #tpu.memory_space<vmem>>, vector<16xi32>,
    %get3A_51 = vector.shape_cast %get3A_50 : vector<16xi32> to vector<16xi32>
    %swap3A_52 = arith.constant 0 : index
    %swap3A_53 = tpu.vector_load %arg8[%swap3A_52] {strides = array<i32>} : memref<50xi32, #tpu.memory_space<vmem>>, vector<16xi32>,
    %swap3A_54 = vector.shape_cast %swap3A_53 : vector<16xi32> to vector<16xi32>
    %swap3A_55 = vector.shape_cast %get3A_51 : vector<16xi32> to vector<16xi32>
    tpu.vector_store %arg8[%swap3A_52], %swap3A_55 {strides = array<i32>} : memref<50xi32, #tpu.memory_space<vmem>>, vector<16xi32>,
    %get3A_56 = arith.constant 66 : index
    %get3A_57 = tpu.vector_load %arg6[%get3A_56] {strides = array<i32>} : memref<6416xi32, #tpu.memory_space<vmem>>, vector<16xi32>,
    %get3A_58 = vector.shape_cast %get3A_57 : vector<16xi32> to vector<16xi32>
    %swap3A_59 = arith.constant 16 : index
    %swap3A_60 = tpu.vector_load %arg8[%swap3A_59] {strides = array<i32>} : memref<50xi32, #tpu.memory_space<vmem>>, vector<16xi32>,
    %swap3A_61 = vector.shape_cast %swap3A_60 : vector<16xi32> to vector<16xi32>
    %swap3A_62 = vector.shape_cast %get3A_58 : vector<16xi32> to vector<16xi32>
    tpu.vector_store %arg8[%swap3A_59], %swap3A_62 {strides = array<i32>} : memref<50xi32, #tpu.memory_space<vmem>>, vector<16xi32>,
    %get3A_63 = arith.constant 82 : index
    %get3A_64 = tpu.vector_load %arg6[%get3A_63] {strides = array<i32>} : memref<6416xi32, #tpu.memory_space<vmem>>, vector<16xi32>,
    %get3A_65 = vector.shape_cast %get3A_64 : vector<16xi32> to vector<16xi32>
    %swap3A_66 = arith.constant 32 : index
    %swap3A_67 = tpu.vector_load %arg8[%swap3A_66] {strides = array<i32>} : memref<50xi32, #tpu.memory_space<vmem>>, vector<16xi32>,
    %swap3A_68 = vector.shape_cast %swap3A_67 : vector<16xi32> to vector<16xi32>
    %swap3A_69 = vector.shape_cast %get3A_65 : vector<16xi32> to vector<16xi32>
    tpu.vector_store %arg8[%swap3A_66], %swap3A_69 {strides = array<i32>} : memref<50xi32, #tpu.memory_space<vmem>>, vector<16xi32>,
    %get3A_70 = arith.constant 84 : index
    %get3A_71 = tpu.vector_load %arg6[%get3A_70] {strides = array<i32>} : memref<6416xi32, #tpu.memory_space<vmem>>, vector<16xi32>,
    %get3A_72 = vector.shape_cast %get3A_71 : vector<16xi32> to vector<16xi32>
    %swap3A_73 = arith.constant 34 : index
    %swap3A_74 = tpu.vector_load %arg8[%swap3A_73] {strides = array<i32>} : memref<50xi32, #tpu.memory_space<vmem>>, vector<16xi32>,
    %swap3A_75 = vector.shape_cast %swap3A_74 : vector<16xi32> to vector<16xi32>
    %swap3A_76 = vector.shape_cast %get3A_72 : vector<16xi32> to vector<16xi32>
    tpu.vector_store %arg8[%swap3A_73], %swap3A_76 {strides = array<i32>} : memref<50xi32, #tpu.memory_space<vmem>>, vector<16xi32>,
    %dma_start3A_77 = arith.constant 0 : i32
    %dma_start3A_78 = arith.constant 0 : i32
    %dma_start3A_79 = tpu.memref_slice %arg10[%dma_start3A_77, %dma_start3A_78] : memref<50x384xf32, #tpu.memory_space<vmem>> -> memref<50x128xf32, #tpu.memory_space<vmem>>
    %dma_start3A_80 = arith.constant 0 : i32
    %dma_start3A_81 = arith.constant 0 : i32
    %dma_start3A_82 = tpu.memref_slice %arg3[%dma_start3A_80, %dma_start3A_81] : memref<100000x300xf32, #tpu.memory_space<hbm>> -> memref<100000x128xf32, #tpu.memory_space<hbm>>
    tpu.enqueue_indirect_dma source(%dma_start3A_82 : memref<100000x128xf32, #tpu.memory_space<hbm>>) target(%dma_start3A_79 : memref<50x128xf32, #tpu.memory_space<vmem>>) offsets(%arg8 : memref<50xi32, #tpu.memory_space<vmem>>) semaphore(%arg13 : memref<!tpu.dma_semaphore, #tpu.memory_space<semaphore_mem>>)
    %dma_start3A_83 = arith.constant 0 : i32
    %dma_start3A_84 = arith.constant 128 : i32
    %dma_start3A_85 = tpu.memref_slice %arg10[%dma_start3A_83, %dma_start3A_84] : memref<50x384xf32, #tpu.memory_space<vmem>> -> memref<50x128xf32, #tpu.memory_space<vmem>>
    %dma_start3A_86 = arith.constant 0 : i32
    %dma_start3A_87 = arith.constant 128 : i32
    %dma_start3A_88 = tpu.memref_slice %arg3[%dma_start3A_86, %dma_start3A_87] : memref<100000x300xf32, #tpu.memory_space<hbm>> -> memref<100000x128xf32, #tpu.memory_space<hbm>>
    tpu.enqueue_indirect_dma source(%dma_start3A_88 : memref<100000x128xf32, #tpu.memory_space<hbm>>) target(%dma_start3A_85 : memref<50x128xf32, #tpu.memory_space<vmem>>) offsets(%arg8 : memref<50xi32, #tpu.memory_space<vmem>>) semaphore(%arg13 : memref<!tpu.dma_semaphore, #tpu.memory_space<semaphore_mem>>)
    %dma_start3A_89 = arith.constant 0 : i32
    %dma_start3A_90 = arith.constant 256 : i32
    %dma_start3A_91 = tpu.memref_slice %arg10[%dma_start3A_89, %dma_start3A_90] : memref<50x384xf32, #tpu.memory_space<vmem>> -> memref<50x128xf32, #tpu.memory_space<vmem>>
    %dma_start3A_92 = arith.constant 0 : i32
    %dma_start3A_93 = arith.constant 0 : i32
    %dma_start3A_94 = tpu.memref_slice %arg4[%dma_start3A_92, %dma_start3A_93] : memref<100000x128xf32, #tpu.memory_space<hbm>> -> memref<100000x128xf32, #tpu.memory_space<hbm>>
    tpu.enqueue_indirect_dma source(%dma_start3A_94 : memref<100000x128xf32, #tpu.memory_space<hbm>>) target(%dma_start3A_91 : memref<50x128xf32, #tpu.memory_space<vmem>>) offsets(%arg8 : memref<50xi32, #tpu.memory_space<vmem>>) semaphore(%arg13 : memref<!tpu.dma_semaphore, #tpu.memory_space<semaphore_mem>>)
    %scan3A = arith.constant 0 : i32
    %scan3A_95 = arith.constant 0 : i32
    %scan3A_96 = arith.constant 64 : i32
    %scan3A_97 = arith.addi %scan3A_95, %scan3A_96 : i32
    %scan3A_98 = arith.constant 1 : i32
    scf.for %scan3A_100 = %scan3A_95 to %scan3A_97 step %scan3A_98  : i32 {
      %mul3A_101 = arith.constant 2 : i32
      %mul3A_102 = arith.muli %scan3A_100, %mul3A_101 : i32
      %dma_wait3A = arith.constant 0 : i32
      %dma_wait3A_103 = arith.constant 0 : i32
      %dma_wait3A_104 = tpu.memref_slice %arg9[%dma_wait3A, %dma_wait3A_103] : memref<50x384xf32, #tpu.memory_space<vmem>> -> memref<50x128xf32, #tpu.memory_space<vmem>>
      %dma_wait3A_105 = arith.constant 0 : i32
      %dma_wait3A_106 = arith.constant 0 : i32
      %dma_wait3A_107 = tpu.memref_slice %arg3[%dma_wait3A_105, %dma_wait3A_106] : memref<100000x300xf32, #tpu.memory_space<hbm>> -> memref<100000x128xf32, #tpu.memory_space<hbm>>
      tpu.wait_indirect_dma semaphore(%arg12 : memref<!tpu.dma_semaphore, #tpu.memory_space<semaphore_mem>>) src(%dma_wait3A_107 : memref<100000x128xf32, #tpu.memory_space<hbm>>) dst(%dma_wait3A_104 : memref<50x128xf32, #tpu.memory_space<vmem>>)
      %dma_wait3A_108 = arith.constant 0 : i32
      %dma_wait3A_109 = arith.constant 128 : i32
      %dma_wait3A_110 = tpu.memref_slice %arg9[%dma_wait3A_108, %dma_wait3A_109] : memref<50x384xf32, #tpu.memory_space<vmem>> -> memref<50x128xf32, #tpu.memory_space<vmem>>
      %dma_wait3A_111 = arith.constant 0 : i32
      %dma_wait3A_112 = arith.constant 128 : i32
      %dma_wait3A_113 = tpu.memref_slice %arg3[%dma_wait3A_111, %dma_wait3A_112] : memref<100000x300xf32, #tpu.memory_space<hbm>> -> memref<100000x128xf32, #tpu.memory_space<hbm>>
      tpu.wait_indirect_dma semaphore(%arg12 : memref<!tpu.dma_semaphore, #tpu.memory_space<semaphore_mem>>) src(%dma_wait3A_113 : memref<100000x128xf32, #tpu.memory_space<hbm>>) dst(%dma_wait3A_110 : memref<50x128xf32, #tpu.memory_space<vmem>>)
      %dma_wait3A_114 = arith.constant 0 : i32
      %dma_wait3A_115 = arith.constant 256 : i32
      %dma_wait3A_116 = tpu.memref_slice %arg9[%dma_wait3A_114, %dma_wait3A_115] : memref<50x384xf32, #tpu.memory_space<vmem>> -> memref<50x128xf32, #tpu.memory_space<vmem>>
      %dma_wait3A_117 = arith.constant 0 : i32
      %dma_wait3A_118 = arith.constant 0 : i32
      %dma_wait3A_119 = tpu.memref_slice %arg4[%dma_wait3A_117, %dma_wait3A_118] : memref<100000x128xf32, #tpu.memory_space<hbm>> -> memref<100000x128xf32, #tpu.memory_space<hbm>>
      tpu.wait_indirect_dma semaphore(%arg12 : memref<!tpu.dma_semaphore, #tpu.memory_space<semaphore_mem>>) src(%dma_wait3A_119 : memref<100000x128xf32, #tpu.memory_space<hbm>>) dst(%dma_wait3A_116 : memref<50x128xf32, #tpu.memory_space<vmem>>)
      %broadcast_in_dim3A_120 = arith.constant 0.000000e+00 : f32
      %broadcast_in_dim3A_121 = vector.broadcast %broadcast_in_dim3A_120 : f32 to vector<16xf32>
      %broadcast_in_dim3A_122 = arith.constant 0.000000e+00 : f32
      %broadcast_in_dim3A_123 = vector.broadcast %broadcast_in_dim3A_122 : f32 to vector<16xf32>
      %broadcast_in_dim3A_124 = arith.constant 0.000000e+00 : f32
      %broadcast_in_dim3A_125 = vector.broadcast %broadcast_in_dim3A_124 : f32 to vector<16xf32>
      %broadcast_in_dim3A_126 = arith.constant 0.000000e+00 : f32
      %broadcast_in_dim3A_127 = vector.broadcast %broadcast_in_dim3A_126 : f32 to vector<16xf32>
      %broadcast_in_dim3A_128 = arith.constant 0.000000e+00 : f32
      %broadcast_in_dim3A_129 = vector.broadcast %broadcast_in_dim3A_128 : f32 to vector<16xf32>
      %broadcast_in_dim3A_130 = arith.constant 0.000000e+00 : f32
      %broadcast_in_dim3A_131 = vector.broadcast %broadcast_in_dim3A_130 : f32 to vector<16xf32>
      %broadcast_in_dim3A_132 = arith.constant 0.000000e+00 : f32
      %broadcast_in_dim3A_133 = vector.broadcast %broadcast_in_dim3A_132 : f32 to vector<16xf32>
      %broadcast_in_dim3A_134 = arith.constant 0.000000e+00 : f32
      %broadcast_in_dim3A_135 = vector.broadcast %broadcast_in_dim3A_134 : f32 to vector<16xf32>
      %broadcast_in_dim3A_136 = arith.constant 0.000000e+00 : f32
      %broadcast_in_dim3A_137 = vector.broadcast %broadcast_in_dim3A_136 : f32 to vector<16xf32>
      %broadcast_in_dim3A_138 = arith.constant 0.000000e+00 : f32
      %broadcast_in_dim3A_139 = vector.broadcast %broadcast_in_dim3A_138 : f32 to vector<16xf32>
      %broadcast_in_dim3A_140 = arith.constant 0.000000e+00 : f32
      %broadcast_in_dim3A_141 = vector.broadcast %broadcast_in_dim3A_140 : f32 to vector<16xf32>
      %broadcast_in_dim3A_142 = arith.constant 0.000000e+00 : f32
      %broadcast_in_dim3A_143 = vector.broadcast %broadcast_in_dim3A_142 : f32 to vector<16xf32>
      %broadcast_in_dim3A_144 = arith.constant 0.000000e+00 : f32
      %broadcast_in_dim3A_145 = vector.broadcast %broadcast_in_dim3A_144 : f32 to vector<16xf32>
      %broadcast_in_dim3A_146 = arith.constant 0.000000e+00 : f32
      %broadcast_in_dim3A_147 = vector.broadcast %broadcast_in_dim3A_146 : f32 to vector<16xf32>
      %broadcast_in_dim3A_148 = arith.constant 0.000000e+00 : f32
      %broadcast_in_dim3A_149 = vector.broadcast %broadcast_in_dim3A_148 : f32 to vector<16xf32>
      %broadcast_in_dim3A_150 = arith.constant 0.000000e+00 : f32
      %broadcast_in_dim3A_151 = vector.broadcast %broadcast_in_dim3A_150 : f32 to vector<16xf32>
      %broadcast_in_dim3A_152 = arith.constant 0.000000e+00 : f32
      %broadcast_in_dim3A_153 = vector.broadcast %broadcast_in_dim3A_152 : f32 to vector<16xf32>
      %broadcast_in_dim3A_154 = arith.constant 0.000000e+00 : f32
      %broadcast_in_dim3A_155 = vector.broadcast %broadcast_in_dim3A_154 : f32 to vector<16xf32>
      %broadcast_in_dim3A_156 = arith.constant 0.000000e+00 : f32
      %broadcast_in_dim3A_157 = vector.broadcast %broadcast_in_dim3A_156 : f32 to vector<16xf32>
      %scan3A_158 = arith.constant 0 : i32
      %scan3A_159 = arith.constant 50 : i32
      %scan3A_160 = arith.addi %scan3A_158, %scan3A_159 : i32
      %scan3A_161 = arith.constant 1 : i32
      %scan3A_162:19 = scf.for %scan3A_593 = %scan3A_158 to %scan3A_160 step %scan3A_161 iter_args(%scan3A_594 = %broadcast_in_dim3A_121, %scan3A_595 = %broadcast_in_dim3A_123, %scan3A_596 = %broadcast_in_dim3A_125, %scan3A_597 = %broadcast_in_dim3A_127, %scan3A_598 = %broadcast_in_dim3A_129, %scan3A_599 = %broadcast_in_dim3A_131, %scan3A_600 = %broadcast_in_dim3A_133, %scan3A_601 = %broadcast_in_dim3A_135, %scan3A_602 = %broadcast_in_dim3A_137, %scan3A_603 = %broadcast_in_dim3A_139, %scan3A_604 = %broadcast_in_dim3A_141, %scan3A_605 = %broadcast_in_dim3A_143, %scan3A_606 = %broadcast_in_dim3A_145, %scan3A_607 = %broadcast_in_dim3A_147, %scan3A_608 = %broadcast_in_dim3A_149, %scan3A_609 = %broadcast_in_dim3A_151, %scan3A_610 = %broadcast_in_dim3A_153, %scan3A_611 = %broadcast_in_dim3A_155, %scan3A_612 = %broadcast_in_dim3A_157) -> (vector<16xf32>, vector<16xf32>, vector<16xf32>, vector<16xf32>, vector<16xf32>, vector<16xf32>, vector<16xf32>, vector<16xf32>, vector<16xf32>, vector<16xf32>, vector<16xf32>, vector<16xf32>, vector<16xf32>, vector<16xf32>, vector<16xf32>, vector<16xf32>, vector<16xf32>, vector<16xf32>, vector<16xf32>)  : i32 {
        %get3A_613 = arith.index_cast %scan3A_593 : i32 to index
        %get3A_614 = arith.constant 0 : index
        %get3A_615 = tpu.vector_load %arg9[%get3A_613, %get3A_614] {strides = array<i32>} : memref<50x384xf32, #tpu.memory_space<vmem>>, vector<1x16xf32>,
        %get3A_616 = vector.shape_cast %get3A_615 : vector<1x16xf32> to vector<16xf32>
        %add3A_617 = arith.addf %scan3A_594, %get3A_616 : vector<16xf32>
        %get3A_618 = arith.index_cast %scan3A_593 : i32 to index
        %get3A_619 = arith.constant 16 : index
        %get3A_620 = tpu.vector_load %arg9[%get3A_618, %get3A_619] {strides = array<i32>} : memref<50x384xf32, #tpu.memory_space<vmem>>, vector<1x16xf32>,
        %get3A_621 = vector.shape_cast %get3A_620 : vector<1x16xf32> to vector<16xf32>
        %add3A_622 = arith.addf %scan3A_595, %get3A_621 : vector<16xf32>
        %get3A_623 = arith.index_cast %scan3A_593 : i32 to index
        %get3A_624 = arith.constant 32 : index
        %get3A_625 = tpu.vector_load %arg9[%get3A_623, %get3A_624] {strides = array<i32>} : memref<50x384xf32, #tpu.memory_space<vmem>>, vector<1x16xf32>,
        %get3A_626 = vector.shape_cast %get3A_625 : vector<1x16xf32> to vector<16xf32>
        %add3A_627 = arith.addf %scan3A_596, %get3A_626 : vector<16xf32>
        %get3A_628 = arith.index_cast %scan3A_593 : i32 to index
        %get3A_629 = arith.constant 48 : index
        %get3A_630 = tpu.vector_load %arg9[%get3A_628, %get3A_629] {strides = array<i32>} : memref<50x384xf32, #tpu.memory_space<vmem>>, vector<1x16xf32>,
        %get3A_631 = vector.shape_cast %get3A_630 : vector<1x16xf32> to vector<16xf32>
        %add3A_632 = arith.addf %scan3A_597, %get3A_631 : vector<16xf32>
        %get3A_633 = arith.index_cast %scan3A_593 : i32 to index
        %get3A_634 = arith.constant 64 : index
        %get3A_635 = tpu.vector_load %arg9[%get3A_633, %get3A_634] {strides = array<i32>} : memref<50x384xf32, #tpu.memory_space<vmem>>, vector<1x16xf32>,
        %get3A_636 = vector.shape_cast %get3A_635 : vector<1x16xf32> to vector<16xf32>
        %add3A_637 = arith.addf %scan3A_598, %get3A_636 : vector<16xf32>
        %get3A_638 = arith.index_cast %scan3A_593 : i32 to index
        %get3A_639 = arith.constant 80 : index
        %get3A_640 = tpu.vector_load %arg9[%get3A_638, %get3A_639] {strides = array<i32>} : memref<50x384xf32, #tpu.memory_space<vmem>>, vector<1x16xf32>,
        %get3A_641 = vector.shape_cast %get3A_640 : vector<1x16xf32> to vector<16xf32>
        %add3A_642 = arith.addf %scan3A_599, %get3A_641 : vector<16xf32>
        %get3A_643 = arith.index_cast %scan3A_593 : i32 to index
        %get3A_644 = arith.constant 96 : index
        %get3A_645 = tpu.vector_load %arg9[%get3A_643, %get3A_644] {strides = array<i32>} : memref<50x384xf32, #tpu.memory_space<vmem>>, vector<1x16xf32>,
        %get3A_646 = vector.shape_cast %get3A_645 : vector<1x16xf32> to vector<16xf32>
        %add3A_647 = arith.addf %scan3A_600, %get3A_646 : vector<16xf32>
        %get3A_648 = arith.index_cast %scan3A_593 : i32 to index
        %get3A_649 = arith.constant 112 : index
        %get3A_650 = tpu.vector_load %arg9[%get3A_648, %get3A_649] {strides = array<i32>} : memref<50x384xf32, #tpu.memory_space<vmem>>, vector<1x16xf32>,
        %get3A_651 = vector.shape_cast %get3A_650 : vector<1x16xf32> to vector<16xf32>
        %add3A_652 = arith.addf %scan3A_601, %get3A_651 : vector<16xf32>
        %get3A_653 = arith.index_cast %scan3A_593 : i32 to index
        %get3A_654 = arith.constant 128 : index
        %get3A_655 = tpu.vector_load %arg9[%get3A_653, %get3A_654] {strides = array<i32>} : memref<50x384xf32, #tpu.memory_space<vmem>>, vector<1x16xf32>,
        %get3A_656 = vector.shape_cast %get3A_655 : vector<1x16xf32> to vector<16xf32>
        %add3A_657 = arith.addf %scan3A_602, %get3A_656 : vector<16xf32>
        %get3A_658 = arith.index_cast %scan3A_593 : i32 to index
        %get3A_659 = arith.constant 144 : index
        %get3A_660 = tpu.vector_load %arg9[%get3A_658, %get3A_659] {strides = array<i32>} : memref<50x384xf32, #tpu.memory_space<vmem>>, vector<1x16xf32>,
        %get3A_661 = vector.shape_cast %get3A_660 : vector<1x16xf32> to vector<16xf32>
        %add3A_662 = arith.addf %scan3A_603, %get3A_661 : vector<16xf32>
        %get3A_663 = arith.index_cast %scan3A_593 : i32 to index
        %get3A_664 = arith.constant 160 : index
        %get3A_665 = tpu.vector_load %arg9[%get3A_663, %get3A_664] {strides = array<i32>} : memref<50x384xf32, #tpu.memory_space<vmem>>, vector<1x16xf32>,
        %get3A_666 = vector.shape_cast %get3A_665 : vector<1x16xf32> to vector<16xf32>
        %add3A_667 = arith.addf %scan3A_604, %get3A_666 : vector<16xf32>
        %get3A_668 = arith.index_cast %scan3A_593 : i32 to index
        %get3A_669 = arith.constant 176 : index
        %get3A_670 = tpu.vector_load %arg9[%get3A_668, %get3A_669] {strides = array<i32>} : memref<50x384xf32, #tpu.memory_space<vmem>>, vector<1x16xf32>,
        %get3A_671 = vector.shape_cast %get3A_670 : vector<1x16xf32> to vector<16xf32>
        %add3A_672 = arith.addf %scan3A_605, %get3A_671 : vector<16xf32>
        %get3A_673 = arith.index_cast %scan3A_593 : i32 to index
        %get3A_674 = arith.constant 192 : index
        %get3A_675 = tpu.vector_load %arg9[%get3A_673, %get3A_674] {strides = array<i32>} : memref<50x384xf32, #tpu.memory_space<vmem>>, vector<1x16xf32>,
        %get3A_676 = vector.shape_cast %get3A_675 : vector<1x16xf32> to vector<16xf32>
        %add3A_677 = arith.addf %scan3A_606, %get3A_676 : vector<16xf32>
        %get3A_678 = arith.index_cast %scan3A_593 : i32 to index
        %get3A_679 = arith.constant 208 : index
        %get3A_680 = tpu.vector_load %arg9[%get3A_678, %get3A_679] {strides = array<i32>} : memref<50x384xf32, #tpu.memory_space<vmem>>, vector<1x16xf32>,
        %get3A_681 = vector.shape_cast %get3A_680 : vector<1x16xf32> to vector<16xf32>
        %add3A_682 = arith.addf %scan3A_607, %get3A_681 : vector<16xf32>
        %get3A_683 = arith.index_cast %scan3A_593 : i32 to index
        %get3A_684 = arith.constant 224 : index
        %get3A_685 = tpu.vector_load %arg9[%get3A_683, %get3A_684] {strides = array<i32>} : memref<50x384xf32, #tpu.memory_space<vmem>>, vector<1x16xf32>,
        %get3A_686 = vector.shape_cast %get3A_685 : vector<1x16xf32> to vector<16xf32>
        %add3A_687 = arith.addf %scan3A_608, %get3A_686 : vector<16xf32>
        %get3A_688 = arith.index_cast %scan3A_593 : i32 to index
        %get3A_689 = arith.constant 240 : index
        %get3A_690 = tpu.vector_load %arg9[%get3A_688, %get3A_689] {strides = array<i32>} : memref<50x384xf32, #tpu.memory_space<vmem>>, vector<1x16xf32>,
        %get3A_691 = vector.shape_cast %get3A_690 : vector<1x16xf32> to vector<16xf32>
        %add3A_692 = arith.addf %scan3A_609, %get3A_691 : vector<16xf32>
        %get3A_693 = arith.index_cast %scan3A_593 : i32 to index
        %get3A_694 = arith.constant 256 : index
        %get3A_695 = tpu.vector_load %arg9[%get3A_693, %get3A_694] {strides = array<i32>} : memref<50x384xf32, #tpu.memory_space<vmem>>, vector<1x16xf32>,
        %get3A_696 = vector.shape_cast %get3A_695 : vector<1x16xf32> to vector<16xf32>
        %add3A_697 = arith.addf %scan3A_610, %get3A_696 : vector<16xf32>
        %get3A_698 = arith.index_cast %scan3A_593 : i32 to index
        %get3A_699 = arith.constant 272 : index
        %get3A_700 = tpu.vector_load %arg9[%get3A_698, %get3A_699] {strides = array<i32>} : memref<50x384xf32, #tpu.memory_space<vmem>>, vector<1x16xf32>,
        %get3A_701 = vector.shape_cast %get3A_700 : vector<1x16xf32> to vector<16xf32>
        %add3A_702 = arith.addf %scan3A_611, %get3A_701 : vector<16xf32>
        %get3A_703 = arith.index_cast %scan3A_593 : i32 to index
        %get3A_704 = arith.constant 288 : index
        %get3A_705 = tpu.vector_load %arg9[%get3A_703, %get3A_704] {strides = array<i32>} : memref<50x384xf32, #tpu.memory_space<vmem>>, vector<1x16xf32>,
        %get3A_706 = vector.shape_cast %get3A_705 : vector<1x16xf32> to vector<16xf32>
        %add3A_707 = arith.addf %scan3A_612, %get3A_706 : vector<16xf32>
        scf.yield %add3A_617, %add3A_622, %add3A_627, %add3A_632, %add3A_637, %add3A_642, %add3A_647, %add3A_652, %add3A_657, %add3A_662, %add3A_667, %add3A_672, %add3A_677, %add3A_682, %add3A_687, %add3A_692, %add3A_697, %add3A_702, %add3A_707 : vector<16xf32>, vector<16xf32>, vector<16xf32>, vector<16xf32>, vector<16xf32>, vector<16xf32>, vector<16xf32>, vector<16xf32>, vector<16xf32>, vector<16xf32>, vector<16xf32>, vector<16xf32>, vector<16xf32>, vector<16xf32>, vector<16xf32>, vector<16xf32>, vector<16xf32>, vector<16xf32>, vector<16xf32>
      }
      %scan3A_163 = arith.constant 50 : i32
      %mul3A_164 = arith.constant 2.000000e-02 : f32
      %mul3A_165 = vector.broadcast %mul3A_164 : f32 to vector<16xf32>
      %mul3A_166 = arith.mulf %scan3A_162#0, %mul3A_165 : vector<16xf32>
      %swap3A_167 = arith.index_cast %mul3A_102 : i32 to index
      %swap3A_168 = arith.constant 0 : index
      %swap3A_169 = tpu.vector_load %arg11[%swap3A_167, %swap3A_168] {strides = array<i32>} : memref<128x384xf32, #tpu.memory_space<vmem>>, vector<1x16xf32>,
      %swap3A_170 = vector.shape_cast %swap3A_169 : vector<1x16xf32> to vector<16xf32>
      %swap3A_171 = vector.shape_cast %mul3A_166 : vector<16xf32> to vector<1x16xf32>
      tpu.vector_store %arg11[%swap3A_167, %swap3A_168], %swap3A_171 {strides = array<i32>} : memref<128x384xf32, #tpu.memory_space<vmem>>, vector<1x16xf32>,
      %mul3A_172 = arith.constant 2.000000e-02 : f32
      %mul3A_173 = vector.broadcast %mul3A_172 : f32 to vector<16xf32>
      %mul3A_174 = arith.mulf %scan3A_162#1, %mul3A_173 : vector<16xf32>
      %swap3A_175 = arith.index_cast %mul3A_102 : i32 to index
      %swap3A_176 = arith.constant 16 : index
      %swap3A_177 = tpu.vector_load %arg11[%swap3A_175, %swap3A_176] {strides = array<i32>} : memref<128x384xf32, #tpu.memory_space<vmem>>, vector<1x16xf32>,
      %swap3A_178 = vector.shape_cast %swap3A_177 : vector<1x16xf32> to vector<16xf32>
      %swap3A_179 = vector.shape_cast %mul3A_174 : vector<16xf32> to vector<1x16xf32>
      tpu.vector_store %arg11[%swap3A_175, %swap3A_176], %swap3A_179 {strides = array<i32>} : memref<128x384xf32, #tpu.memory_space<vmem>>, vector<1x16xf32>,
      %mul3A_180 = arith.constant 2.000000e-02 : f32
      %mul3A_181 = vector.broadcast %mul3A_180 : f32 to vector<16xf32>
      %mul3A_182 = arith.mulf %scan3A_162#2, %mul3A_181 : vector<16xf32>
      %swap3A_183 = arith.index_cast %mul3A_102 : i32 to index
      %swap3A_184 = arith.constant 32 : index
      %swap3A_185 = tpu.vector_load %arg11[%swap3A_183, %swap3A_184] {strides = array<i32>} : memref<128x384xf32, #tpu.memory_space<vmem>>, vector<1x16xf32>,
      %swap3A_186 = vector.shape_cast %swap3A_185 : vector<1x16xf32> to vector<16xf32>
      %swap3A_187 = vector.shape_cast %mul3A_182 : vector<16xf32> to vector<1x16xf32>
      tpu.vector_store %arg11[%swap3A_183, %swap3A_184], %swap3A_187 {strides = array<i32>} : memref<128x384xf32, #tpu.memory_space<vmem>>, vector<1x16xf32>,
      %mul3A_188 = arith.constant 2.000000e-02 : f32
      %mul3A_189 = vector.broadcast %mul3A_188 : f32 to vector<16xf32>
      %mul3A_190 = arith.mulf %scan3A_162#3, %mul3A_189 : vector<16xf32>
      %swap3A_191 = arith.index_cast %mul3A_102 : i32 to index
      %swap3A_192 = arith.constant 48 : index
      %swap3A_193 = tpu.vector_load %arg11[%swap3A_191, %swap3A_192] {strides = array<i32>} : memref<128x384xf32, #tpu.memory_space<vmem>>, vector<1x16xf32>,
      %swap3A_194 = vector.shape_cast %swap3A_193 : vector<1x16xf32> to vector<16xf32>
      %swap3A_195 = vector.shape_cast %mul3A_190 : vector<16xf32> to vector<1x16xf32>
      tpu.vector_store %arg11[%swap3A_191, %swap3A_192], %swap3A_195 {strides = array<i32>} : memref<128x384xf32, #tpu.memory_space<vmem>>, vector<1x16xf32>,
      %mul3A_196 = arith.constant 2.000000e-02 : f32
      %mul3A_197 = vector.broadcast %mul3A_196 : f32 to vector<16xf32>
      %mul3A_198 = arith.mulf %scan3A_162#4, %mul3A_197 : vector<16xf32>
      %swap3A_199 = arith.index_cast %mul3A_102 : i32 to index
      %swap3A_200 = arith.constant 64 : index
      %swap3A_201 = tpu.vector_load %arg11[%swap3A_199, %swap3A_200] {strides = array<i32>} : memref<128x384xf32, #tpu.memory_space<vmem>>, vector<1x16xf32>,
      %swap3A_202 = vector.shape_cast %swap3A_201 : vector<1x16xf32> to vector<16xf32>
      %swap3A_203 = vector.shape_cast %mul3A_198 : vector<16xf32> to vector<1x16xf32>
      tpu.vector_store %arg11[%swap3A_199, %swap3A_200], %swap3A_203 {strides = array<i32>} : memref<128x384xf32, #tpu.memory_space<vmem>>, vector<1x16xf32>,
      %mul3A_204 = arith.constant 2.000000e-02 : f32
      %mul3A_205 = vector.broadcast %mul3A_204 : f32 to vector<16xf32>
      %mul3A_206 = arith.mulf %scan3A_162#5, %mul3A_205 : vector<16xf32>
      %swap3A_207 = arith.index_cast %mul3A_102 : i32 to index
      %swap3A_208 = arith.constant 80 : index
      %swap3A_209 = tpu.vector_load %arg11[%swap3A_207, %swap3A_208] {strides = array<i32>} : memref<128x384xf32, #tpu.memory_space<vmem>>, vector<1x16xf32>,
      %swap3A_210 = vector.shape_cast %swap3A_209 : vector<1x16xf32> to vector<16xf32>
      %swap3A_211 = vector.shape_cast %mul3A_206 : vector<16xf32> to vector<1x16xf32>
      tpu.vector_store %arg11[%swap3A_207, %swap3A_208], %swap3A_211 {strides = array<i32>} : memref<128x384xf32, #tpu.memory_space<vmem>>, vector<1x16xf32>,
      %mul3A_212 = arith.constant 2.000000e-02 : f32
      %mul3A_213 = vector.broadcast %mul3A_212 : f32 to vector<16xf32>
      %mul3A_214 = arith.mulf %scan3A_162#6, %mul3A_213 : vector<16xf32>
      %swap3A_215 = arith.index_cast %mul3A_102 : i32 to index
      %swap3A_216 = arith.constant 96 : index
      %swap3A_217 = tpu.vector_load %arg11[%swap3A_215, %swap3A_216] {strides = array<i32>} : memref<128x384xf32, #tpu.memory_space<vmem>>, vector<1x16xf32>,
      %swap3A_218 = vector.shape_cast %swap3A_217 : vector<1x16xf32> to vector<16xf32>
      %swap3A_219 = vector.shape_cast %mul3A_214 : vector<16xf32> to vector<1x16xf32>
      tpu.vector_store %arg11[%swap3A_215, %swap3A_216], %swap3A_219 {strides = array<i32>} : memref<128x384xf32, #tpu.memory_space<vmem>>, vector<1x16xf32>,
      %mul3A_220 = arith.constant 2.000000e-02 : f32
      %mul3A_221 = vector.broadcast %mul3A_220 : f32 to vector<16xf32>
      %mul3A_222 = arith.mulf %scan3A_162#7, %mul3A_221 : vector<16xf32>
      %swap3A_223 = arith.index_cast %mul3A_102 : i32 to index
      %swap3A_224 = arith.constant 112 : index
      %swap3A_225 = tpu.vector_load %arg11[%swap3A_223, %swap3A_224] {strides = array<i32>} : memref<128x384xf32, #tpu.memory_space<vmem>>, vector<1x16xf32>,
      %swap3A_226 = vector.shape_cast %swap3A_225 : vector<1x16xf32> to vector<16xf32>
      %swap3A_227 = vector.shape_cast %mul3A_222 : vector<16xf32> to vector<1x16xf32>
      tpu.vector_store %arg11[%swap3A_223, %swap3A_224], %swap3A_227 {strides = array<i32>} : memref<128x384xf32, #tpu.memory_space<vmem>>, vector<1x16xf32>,
      %mul3A_228 = arith.constant 2.000000e-02 : f32
      %mul3A_229 = vector.broadcast %mul3A_228 : f32 to vector<16xf32>
      %mul3A_230 = arith.mulf %scan3A_162#8, %mul3A_229 : vector<16xf32>
      %swap3A_231 = arith.index_cast %mul3A_102 : i32 to index
      %swap3A_232 = arith.constant 128 : index
      %swap3A_233 = tpu.vector_load %arg11[%swap3A_231, %swap3A_232] {strides = array<i32>} : memref<128x384xf32, #tpu.memory_space<vmem>>, vector<1x16xf32>,
      %swap3A_234 = vector.shape_cast %swap3A_233 : vector<1x16xf32> to vector<16xf32>
      %swap3A_235 = vector.shape_cast %mul3A_230 : vector<16xf32> to vector<1x16xf32>
      tpu.vector_store %arg11[%swap3A_231, %swap3A_232], %swap3A_235 {strides = array<i32>} : memref<128x384xf32, #tpu.memory_space<vmem>>, vector<1x16xf32>,
      %mul3A_236 = arith.constant 2.000000e-02 : f32
      %mul3A_237 = vector.broadcast %mul3A_236 : f32 to vector<16xf32>
      %mul3A_238 = arith.mulf %scan3A_162#9, %mul3A_237 : vector<16xf32>
      %swap3A_239 = arith.index_cast %mul3A_102 : i32 to index
      %swap3A_240 = arith.constant 144 : index
      %swap3A_241 = tpu.vector_load %arg11[%swap3A_239, %swap3A_240] {strides = array<i32>} : memref<128x384xf32, #tpu.memory_space<vmem>>, vector<1x16xf32>,
      %swap3A_242 = vector.shape_cast %swap3A_241 : vector<1x16xf32> to vector<16xf32>
      %swap3A_243 = vector.shape_cast %mul3A_238 : vector<16xf32> to vector<1x16xf32>
      tpu.vector_store %arg11[%swap3A_239, %swap3A_240], %swap3A_243 {strides = array<i32>} : memref<128x384xf32, #tpu.memory_space<vmem>>, vector<1x16xf32>,
      %mul3A_244 = arith.constant 2.000000e-02 : f32
      %mul3A_245 = vector.broadcast %mul3A_244 : f32 to vector<16xf32>
      %mul3A_246 = arith.mulf %scan3A_162#10, %mul3A_245 : vector<16xf32>
      %swap3A_247 = arith.index_cast %mul3A_102 : i32 to index
      %swap3A_248 = arith.constant 160 : index
      %swap3A_249 = tpu.vector_load %arg11[%swap3A_247, %swap3A_248] {strides = array<i32>} : memref<128x384xf32, #tpu.memory_space<vmem>>, vector<1x16xf32>,
      %swap3A_250 = vector.shape_cast %swap3A_249 : vector<1x16xf32> to vector<16xf32>
      %swap3A_251 = vector.shape_cast %mul3A_246 : vector<16xf32> to vector<1x16xf32>
      tpu.vector_store %arg11[%swap3A_247, %swap3A_248], %swap3A_251 {strides = array<i32>} : memref<128x384xf32, #tpu.memory_space<vmem>>, vector<1x16xf32>,
      %mul3A_252 = arith.constant 2.000000e-02 : f32
      %mul3A_253 = vector.broadcast %mul3A_252 : f32 to vector<16xf32>
      %mul3A_254 = arith.mulf %scan3A_162#11, %mul3A_253 : vector<16xf32>
      %swap3A_255 = arith.index_cast %mul3A_102 : i32 to index
      %swap3A_256 = arith.constant 176 : index
      %swap3A_257 = tpu.vector_load %arg11[%swap3A_255, %swap3A_256] {strides = array<i32>} : memref<128x384xf32, #tpu.memory_space<vmem>>, vector<1x16xf32>,
      %swap3A_258 = vector.shape_cast %swap3A_257 : vector<1x16xf32> to vector<16xf32>
      %swap3A_259 = vector.shape_cast %mul3A_254 : vector<16xf32> to vector<1x16xf32>
      tpu.vector_store %arg11[%swap3A_255, %swap3A_256], %swap3A_259 {strides = array<i32>} : memref<128x384xf32, #tpu.memory_space<vmem>>, vector<1x16xf32>,
      %mul3A_260 = arith.constant 2.000000e-02 : f32
      %mul3A_261 = vector.broadcast %mul3A_260 : f32 to vector<16xf32>
      %mul3A_262 = arith.mulf %scan3A_162#12, %mul3A_261 : vector<16xf32>
      %swap3A_263 = arith.index_cast %mul3A_102 : i32 to index
      %swap3A_264 = arith.constant 192 : index
      %swap3A_265 = tpu.vector_load %arg11[%swap3A_263, %swap3A_264] {strides = array<i32>} : memref<128x384xf32, #tpu.memory_space<vmem>>, vector<1x16xf32>,
      %swap3A_266 = vector.shape_cast %swap3A_265 : vector<1x16xf32> to vector<16xf32>
      %swap3A_267 = vector.shape_cast %mul3A_262 : vector<16xf32> to vector<1x16xf32>
      tpu.vector_store %arg11[%swap3A_263, %swap3A_264], %swap3A_267 {strides = array<i32>} : memref<128x384xf32, #tpu.memory_space<vmem>>, vector<1x16xf32>,
      %mul3A_268 = arith.constant 2.000000e-02 : f32
      %mul3A_269 = vector.broadcast %mul3A_268 : f32 to vector<16xf32>
      %mul3A_270 = arith.mulf %scan3A_162#13, %mul3A_269 : vector<16xf32>
      %swap3A_271 = arith.index_cast %mul3A_102 : i32 to index
      %swap3A_272 = arith.constant 208 : index
      %swap3A_273 = tpu.vector_load %arg11[%swap3A_271, %swap3A_272] {strides = array<i32>} : memref<128x384xf32, #tpu.memory_space<vmem>>, vector<1x16xf32>,
      %swap3A_274 = vector.shape_cast %swap3A_273 : vector<1x16xf32> to vector<16xf32>
      %swap3A_275 = vector.shape_cast %mul3A_270 : vector<16xf32> to vector<1x16xf32>
      tpu.vector_store %arg11[%swap3A_271, %swap3A_272], %swap3A_275 {strides = array<i32>} : memref<128x384xf32, #tpu.memory_space<vmem>>, vector<1x16xf32>,
      %mul3A_276 = arith.constant 2.000000e-02 : f32
      %mul3A_277 = vector.broadcast %mul3A_276 : f32 to vector<16xf32>
      %mul3A_278 = arith.mulf %scan3A_162#14, %mul3A_277 : vector<16xf32>
      %swap3A_279 = arith.index_cast %mul3A_102 : i32 to index
      %swap3A_280 = arith.constant 224 : index
      %swap3A_281 = tpu.vector_load %arg11[%swap3A_279, %swap3A_280] {strides = array<i32>} : memref<128x384xf32, #tpu.memory_space<vmem>>, vector<1x16xf32>,
      %swap3A_282 = vector.shape_cast %swap3A_281 : vector<1x16xf32> to vector<16xf32>
      %swap3A_283 = vector.shape_cast %mul3A_278 : vector<16xf32> to vector<1x16xf32>
      tpu.vector_store %arg11[%swap3A_279, %swap3A_280], %swap3A_283 {strides = array<i32>} : memref<128x384xf32, #tpu.memory_space<vmem>>, vector<1x16xf32>,
      %mul3A_284 = arith.constant 2.000000e-02 : f32
      %mul3A_285 = vector.broadcast %mul3A_284 : f32 to vector<16xf32>
      %mul3A_286 = arith.mulf %scan3A_162#15, %mul3A_285 : vector<16xf32>
      %swap3A_287 = arith.index_cast %mul3A_102 : i32 to index
      %swap3A_288 = arith.constant 240 : index
      %swap3A_289 = tpu.vector_load %arg11[%swap3A_287, %swap3A_288] {strides = array<i32>} : memref<128x384xf32, #tpu.memory_space<vmem>>, vector<1x16xf32>,
      %swap3A_290 = vector.shape_cast %swap3A_289 : vector<1x16xf32> to vector<16xf32>
      %swap3A_291 = vector.shape_cast %mul3A_286 : vector<16xf32> to vector<1x16xf32>
      tpu.vector_store %arg11[%swap3A_287, %swap3A_288], %swap3A_291 {strides = array<i32>} : memref<128x384xf32, #tpu.memory_space<vmem>>, vector<1x16xf32>,
      %mul3A_292 = arith.constant 2.000000e-02 : f32
      %mul3A_293 = vector.broadcast %mul3A_292 : f32 to vector<16xf32>
      %mul3A_294 = arith.mulf %scan3A_162#16, %mul3A_293 : vector<16xf32>
      %swap3A_295 = arith.index_cast %mul3A_102 : i32 to index
      %swap3A_296 = arith.constant 256 : index
      %swap3A_297 = tpu.vector_load %arg11[%swap3A_295, %swap3A_296] {strides = array<i32>} : memref<128x384xf32, #tpu.memory_space<vmem>>, vector<1x16xf32>,
      %swap3A_298 = vector.shape_cast %swap3A_297 : vector<1x16xf32> to vector<16xf32>
      %swap3A_299 = vector.shape_cast %mul3A_294 : vector<16xf32> to vector<1x16xf32>
      tpu.vector_store %arg11[%swap3A_295, %swap3A_296], %swap3A_299 {strides = array<i32>} : memref<128x384xf32, #tpu.memory_space<vmem>>, vector<1x16xf32>,
      %mul3A_300 = arith.constant 2.000000e-02 : f32
      %mul3A_301 = vector.broadcast %mul3A_300 : f32 to vector<16xf32>
      %mul3A_302 = arith.mulf %scan3A_162#17, %mul3A_301 : vector<16xf32>
      %swap3A_303 = arith.index_cast %mul3A_102 : i32 to index
      %swap3A_304 = arith.constant 272 : index
      %swap3A_305 = tpu.vector_load %arg11[%swap3A_303, %swap3A_304] {strides = array<i32>} : memref<128x384xf32, #tpu.memory_space<vmem>>, vector<1x16xf32>,
      %swap3A_306 = vector.shape_cast %swap3A_305 : vector<1x16xf32> to vector<16xf32>
      %swap3A_307 = vector.shape_cast %mul3A_302 : vector<16xf32> to vector<1x16xf32>
      tpu.vector_store %arg11[%swap3A_303, %swap3A_304], %swap3A_307 {strides = array<i32>} : memref<128x384xf32, #tpu.memory_space<vmem>>, vector<1x16xf32>,
      %mul3A_308 = arith.constant 2.000000e-02 : f32
      %mul3A_309 = vector.broadcast %mul3A_308 : f32 to vector<16xf32>
      %mul3A_310 = arith.mulf %scan3A_162#18, %mul3A_309 : vector<16xf32>
      %swap3A_311 = arith.index_cast %mul3A_102 : i32 to index
      %swap3A_312 = arith.constant 288 : index
      %swap3A_313 = tpu.vector_load %arg11[%swap3A_311, %swap3A_312] {strides = array<i32>} : memref<128x384xf32, #tpu.memory_space<vmem>>, vector<1x16xf32>,
      %swap3A_314 = vector.shape_cast %swap3A_313 : vector<1x16xf32> to vector<16xf32>
      %swap3A_315 = vector.shape_cast %mul3A_310 : vector<16xf32> to vector<1x16xf32>
      tpu.vector_store %arg11[%swap3A_311, %swap3A_312], %swap3A_315 {strides = array<i32>} : memref<128x384xf32, #tpu.memory_space<vmem>>, vector<1x16xf32>,
      %swap3A_316 = arith.index_cast %mul3A_102 : i32 to index
      %swap3A_317 = arith.constant 304 : index
      %swap3A_318 = tpu.vector_load %arg11[%swap3A_316, %swap3A_317] {strides = array<i32>} : memref<128x384xf32, #tpu.memory_space<vmem>>, vector<1x16xf32>,
      %swap3A_319 = vector.shape_cast %swap3A_318 : vector<1x16xf32> to vector<16xf32>
      %swap3A_320 = vector.shape_cast %broadcast_in_dim3A_5 : vector<16xf32> to vector<1x16xf32>
      tpu.vector_store %arg11[%swap3A_316, %swap3A_317], %swap3A_320 {strides = array<i32>} : memref<128x384xf32, #tpu.memory_space<vmem>>, vector<1x16xf32>,
      %swap3A_321 = arith.index_cast %mul3A_102 : i32 to index
      %swap3A_322 = arith.constant 320 : index
      %swap3A_323 = tpu.vector_load %arg11[%swap3A_321, %swap3A_322] {strides = array<i32>} : memref<128x384xf32, #tpu.memory_space<vmem>>, vector<1x16xf32>,
      %swap3A_324 = vector.shape_cast %swap3A_323 : vector<1x16xf32> to vector<16xf32>
      %swap3A_325 = vector.shape_cast %broadcast_in_dim3A_5 : vector<16xf32> to vector<1x16xf32>
      tpu.vector_store %arg11[%swap3A_321, %swap3A_322], %swap3A_325 {strides = array<i32>} : memref<128x384xf32, #tpu.memory_space<vmem>>, vector<1x16xf32>,
      %swap3A_326 = arith.index_cast %mul3A_102 : i32 to index
      %swap3A_327 = arith.constant 336 : index
      %swap3A_328 = tpu.vector_load %arg11[%swap3A_326, %swap3A_327] {strides = array<i32>} : memref<128x384xf32, #tpu.memory_space<vmem>>, vector<1x16xf32>,
      %swap3A_329 = vector.shape_cast %swap3A_328 : vector<1x16xf32> to vector<16xf32>
      %swap3A_330 = vector.shape_cast %broadcast_in_dim3A_5 : vector<16xf32> to vector<1x16xf32>
      tpu.vector_store %arg11[%swap3A_326, %swap3A_327], %swap3A_330 {strides = array<i32>} : memref<128x384xf32, #tpu.memory_space<vmem>>, vector<1x16xf32>,
      %swap3A_331 = arith.index_cast %mul3A_102 : i32 to index
      %swap3A_332 = arith.constant 352 : index
      %swap3A_333 = tpu.vector_load %arg11[%swap3A_331, %swap3A_332] {strides = array<i32>} : memref<128x384xf32, #tpu.memory_space<vmem>>, vector<1x16xf32>,
      %swap3A_334 = vector.shape_cast %swap3A_333 : vector<1x16xf32> to vector<16xf32>
      %swap3A_335 = vector.shape_cast %broadcast_in_dim3A_5 : vector<16xf32> to vector<1x16xf32>
      tpu.vector_store %arg11[%swap3A_331, %swap3A_332], %swap3A_335 {strides = array<i32>} : memref<128x384xf32, #tpu.memory_space<vmem>>, vector<1x16xf32>,
      %swap3A_336 = arith.index_cast %mul3A_102 : i32 to index
      %swap3A_337 = arith.constant 368 : index
      %swap3A_338 = tpu.vector_load %arg11[%swap3A_336, %swap3A_337] {strides = array<i32>} : memref<128x384xf32, #tpu.memory_space<vmem>>, vector<1x16xf32>,
      %swap3A_339 = vector.shape_cast %swap3A_338 : vector<1x16xf32> to vector<16xf32>
      %swap3A_340 = vector.shape_cast %broadcast_in_dim3A_5 : vector<16xf32> to vector<1x16xf32>
      tpu.vector_store %arg11[%swap3A_336, %swap3A_337], %swap3A_340 {strides = array<i32>} : memref<128x384xf32, #tpu.memory_space<vmem>>, vector<1x16xf32>,
      %add3A_341 = arith.constant 2 : i32
      %add3A_342 = arith.addi %mul3A_102, %add3A_341 : i32
      %lt3A = arith.constant 128 : i32
      %lt3A_343 = arith.cmpi slt, %add3A_342, %lt3A : i32
      %convert_element_type3A = arith.extui %lt3A_343 : i1 to i32
      %cond3A = arith.constant 0 : i32
      %cond3A_344 = arith.cmpi ne, %convert_element_type3A, %cond3A : i32
      scf.if %cond3A_344 {
        %add3A_593 = arith.constant 2 : i32
        %add3A_594 = arith.addi %mul3A_102, %add3A_593 : i32
        %mul3A_595 = arith.constant 50 : i32
        %mul3A_596 = arith.muli %add3A_594, %mul3A_595 : i32
        %add3A_597 = arith.constant 0 : i32
        %add3A_598 = arith.addi %mul3A_596, %add3A_597 : i32
        %get3A_599 = arith.index_cast %add3A_598 : i32 to index
        %get3A_600 = tpu.vector_load %arg6[%get3A_599] {strides = array<i32>} : memref<6416xi32, #tpu.memory_space<vmem>>, vector<16xi32>,
        %get3A_601 = vector.shape_cast %get3A_600 : vector<16xi32> to vector<16xi32>
        %swap3A_602 = arith.constant 0 : index
        %swap3A_603 = tpu.vector_load %arg7[%swap3A_602] {strides = array<i32>} : memref<50xi32, #tpu.memory_space<vmem>>, vector<16xi32>,
        %swap3A_604 = vector.shape_cast %swap3A_603 : vector<16xi32> to vector<16xi32>
        %swap3A_605 = vector.shape_cast %get3A_601 : vector<16xi32> to vector<16xi32>
        tpu.vector_store %arg7[%swap3A_602], %swap3A_605 {strides = array<i32>} : memref<50xi32, #tpu.memory_space<vmem>>, vector<16xi32>,
        %mul3A_606 = arith.constant 50 : i32
        %mul3A_607 = arith.muli %add3A_594, %mul3A_606 : i32
        %add3A_608 = arith.constant 16 : i32
        %add3A_609 = arith.addi %mul3A_607, %add3A_608 : i32
        %get3A_610 = arith.index_cast %add3A_609 : i32 to index
        %get3A_611 = tpu.vector_load %arg6[%get3A_610] {strides = array<i32>} : memref<6416xi32, #tpu.memory_space<vmem>>, vector<16xi32>,
        %get3A_612 = vector.shape_cast %get3A_611 : vector<16xi32> to vector<16xi32>
        %swap3A_613 = arith.constant 16 : index
        %swap3A_614 = tpu.vector_load %arg7[%swap3A_613] {strides = array<i32>} : memref<50xi32, #tpu.memory_space<vmem>>, vector<16xi32>,
        %swap3A_615 = vector.shape_cast %swap3A_614 : vector<16xi32> to vector<16xi32>
        %swap3A_616 = vector.shape_cast %get3A_612 : vector<16xi32> to vector<16xi32>
        tpu.vector_store %arg7[%swap3A_613], %swap3A_616 {strides = array<i32>} : memref<50xi32, #tpu.memory_space<vmem>>, vector<16xi32>,
        %mul3A_617 = arith.constant 50 : i32
        %mul3A_618 = arith.muli %add3A_594, %mul3A_617 : i32
        %add3A_619 = arith.constant 32 : i32
        %add3A_620 = arith.addi %mul3A_618, %add3A_619 : i32
        %get3A_621 = arith.index_cast %add3A_620 : i32 to index
        %get3A_622 = tpu.vector_load %arg6[%get3A_621] {strides = array<i32>} : memref<6416xi32, #tpu.memory_space<vmem>>, vector<16xi32>,
        %get3A_623 = vector.shape_cast %get3A_622 : vector<16xi32> to vector<16xi32>
        %swap3A_624 = arith.constant 32 : index
        %swap3A_625 = tpu.vector_load %arg7[%swap3A_624] {strides = array<i32>} : memref<50xi32, #tpu.memory_space<vmem>>, vector<16xi32>,
        %swap3A_626 = vector.shape_cast %swap3A_625 : vector<16xi32> to vector<16xi32>
        %swap3A_627 = vector.shape_cast %get3A_623 : vector<16xi32> to vector<16xi32>
        tpu.vector_store %arg7[%swap3A_624], %swap3A_627 {strides = array<i32>} : memref<50xi32, #tpu.memory_space<vmem>>, vector<16xi32>,
        %mul3A_628 = arith.constant 50 : i32
        %mul3A_629 = arith.muli %add3A_594, %mul3A_628 : i32
        %add3A_630 = arith.constant 34 : i32
        %add3A_631 = arith.addi %mul3A_629, %add3A_630 : i32
        %get3A_632 = arith.index_cast %add3A_631 : i32 to index
        %get3A_633 = tpu.vector_load %arg6[%get3A_632] {strides = array<i32>} : memref<6416xi32, #tpu.memory_space<vmem>>, vector<16xi32>,
        %get3A_634 = vector.shape_cast %get3A_633 : vector<16xi32> to vector<16xi32>
        %swap3A_635 = arith.constant 34 : index
        %swap3A_636 = tpu.vector_load %arg7[%swap3A_635] {strides = array<i32>} : memref<50xi32, #tpu.memory_space<vmem>>, vector<16xi32>,
        %swap3A_637 = vector.shape_cast %swap3A_636 : vector<16xi32> to vector<16xi32>
        %swap3A_638 = vector.shape_cast %get3A_634 : vector<16xi32> to vector<16xi32>
        tpu.vector_store %arg7[%swap3A_635], %swap3A_638 {strides = array<i32>} : memref<50xi32, #tpu.memory_space<vmem>>, vector<16xi32>,
        %dma_start3A_639 = arith.constant 0 : i32
        %dma_start3A_640 = arith.constant 0 : i32
        %dma_start3A_641 = tpu.memref_slice %arg9[%dma_start3A_639, %dma_start3A_640] : memref<50x384xf32, #tpu.memory_space<vmem>> -> memref<50x128xf32, #tpu.memory_space<vmem>>
        %dma_start3A_642 = arith.constant 0 : i32
        %dma_start3A_643 = arith.constant 0 : i32
        %dma_start3A_644 = tpu.memref_slice %arg3[%dma_start3A_642, %dma_start3A_643] : memref<100000x300xf32, #tpu.memory_space<hbm>> -> memref<100000x128xf32, #tpu.memory_space<hbm>>
        tpu.enqueue_indirect_dma source(%dma_start3A_644 : memref<100000x128xf32, #tpu.memory_space<hbm>>) target(%dma_start3A_641 : memref<50x128xf32, #tpu.memory_space<vmem>>) offsets(%arg7 : memref<50xi32, #tpu.memory_space<vmem>>) semaphore(%arg12 : memref<!tpu.dma_semaphore, #tpu.memory_space<semaphore_mem>>)
        %dma_start3A_645 = arith.constant 0 : i32
        %dma_start3A_646 = arith.constant 128 : i32
        %dma_start3A_647 = tpu.memref_slice %arg9[%dma_start3A_645, %dma_start3A_646] : memref<50x384xf32, #tpu.memory_space<vmem>> -> memref<50x128xf32, #tpu.memory_space<vmem>>
        %dma_start3A_648 = arith.constant 0 : i32
        %dma_start3A_649 = arith.constant 128 : i32
        %dma_start3A_650 = tpu.memref_slice %arg3[%dma_start3A_648, %dma_start3A_649] : memref<100000x300xf32, #tpu.memory_space<hbm>> -> memref<100000x128xf32, #tpu.memory_space<hbm>>
        tpu.enqueue_indirect_dma source(%dma_start3A_650 : memref<100000x128xf32, #tpu.memory_space<hbm>>) target(%dma_start3A_647 : memref<50x128xf32, #tpu.memory_space<vmem>>) offsets(%arg7 : memref<50xi32, #tpu.memory_space<vmem>>) semaphore(%arg12 : memref<!tpu.dma_semaphore, #tpu.memory_space<semaphore_mem>>)
        %dma_start3A_651 = arith.constant 0 : i32
        %dma_start3A_652 = arith.constant 256 : i32
        %dma_start3A_653 = tpu.memref_slice %arg9[%dma_start3A_651, %dma_start3A_652] : memref<50x384xf32, #tpu.memory_space<vmem>> -> memref<50x128xf32, #tpu.memory_space<vmem>>
        %dma_start3A_654 = arith.constant 0 : i32
        %dma_start3A_655 = arith.constant 0 : i32
        %dma_start3A_656 = tpu.memref_slice %arg4[%dma_start3A_654, %dma_start3A_655] : memref<100000x128xf32, #tpu.memory_space<hbm>> -> memref<100000x128xf32, #tpu.memory_space<hbm>>
        tpu.enqueue_indirect_dma source(%dma_start3A_656 : memref<100000x128xf32, #tpu.memory_space<hbm>>) target(%dma_start3A_653 : memref<50x128xf32, #tpu.memory_space<vmem>>) offsets(%arg7 : memref<50xi32, #tpu.memory_space<vmem>>) semaphore(%arg12 : memref<!tpu.dma_semaphore, #tpu.memory_space<semaphore_mem>>)
      } else {
      }
      %dma_wait3A_345 = arith.constant 0 : i32
      %dma_wait3A_346 = arith.constant 0 : i32
      %dma_wait3A_347 = tpu.memref_slice %arg10[%dma_wait3A_345, %dma_wait3A_346] : memref<50x384xf32, #tpu.memory_space<vmem>> -> memref<50x128xf32, #tpu.memory_space<vmem>>
      %dma_wait3A_348 = arith.constant 0 : i32
      %dma_wait3A_349 = arith.constant 0 : i32
      %dma_wait3A_350 = tpu.memref_slice %arg3[%dma_wait3A_348, %dma_wait3A_349] : memref<100000x300xf32, #tpu.memory_space<hbm>> -> memref<100000x128xf32, #tpu.memory_space<hbm>>
      tpu.wait_indirect_dma semaphore(%arg13 : memref<!tpu.dma_semaphore, #tpu.memory_space<semaphore_mem>>) src(%dma_wait3A_350 : memref<100000x128xf32, #tpu.memory_space<hbm>>) dst(%dma_wait3A_347 : memref<50x128xf32, #tpu.memory_space<vmem>>)
      %dma_wait3A_351 = arith.constant 0 : i32
      %dma_wait3A_352 = arith.constant 128 : i32
      %dma_wait3A_353 = tpu.memref_slice %arg10[%dma_wait3A_351, %dma_wait3A_352] : memref<50x384xf32, #tpu.memory_space<vmem>> -> memref<50x128xf32, #tpu.memory_space<vmem>>
      %dma_wait3A_354 = arith.constant 0 : i32
      %dma_wait3A_355 = arith.constant 128 : i32
      %dma_wait3A_356 = tpu.memref_slice %arg3[%dma_wait3A_354, %dma_wait3A_355] : memref<100000x300xf32, #tpu.memory_space<hbm>> -> memref<100000x128xf32, #tpu.memory_space<hbm>>
      tpu.wait_indirect_dma semaphore(%arg13 : memref<!tpu.dma_semaphore, #tpu.memory_space<semaphore_mem>>) src(%dma_wait3A_356 : memref<100000x128xf32, #tpu.memory_space<hbm>>) dst(%dma_wait3A_353 : memref<50x128xf32, #tpu.memory_space<vmem>>)
      %dma_wait3A_357 = arith.constant 0 : i32
      %dma_wait3A_358 = arith.constant 256 : i32
      %dma_wait3A_359 = tpu.memref_slice %arg10[%dma_wait3A_357, %dma_wait3A_358] : memref<50x384xf32, #tpu.memory_space<vmem>> -> memref<50x128xf32, #tpu.memory_space<vmem>>
      %dma_wait3A_360 = arith.constant 0 : i32
      %dma_wait3A_361 = arith.constant 0 : i32
      %dma_wait3A_362 = tpu.memref_slice %arg4[%dma_wait3A_360, %dma_wait3A_361] : memref<100000x128xf32, #tpu.memory_space<hbm>> -> memref<100000x128xf32, #tpu.memory_space<hbm>>
      tpu.wait_indirect_dma semaphore(%arg13 : memref<!tpu.dma_semaphore, #tpu.memory_space<semaphore_mem>>) src(%dma_wait3A_362 : memref<100000x128xf32, #tpu.memory_space<hbm>>) dst(%dma_wait3A_359 : memref<50x128xf32, #tpu.memory_space<vmem>>)
      %add3A_363 = arith.constant 1 : i32
      %add3A_364 = arith.addi %mul3A_102, %add3A_363 : i32
      %broadcast_in_dim3A_365 = arith.constant 0.000000e+00 : f32
      %broadcast_in_dim3A_366 = vector.broadcast %broadcast_in_dim3A_365 : f32 to vector<16xf32>
      %broadcast_in_dim3A_367 = arith.constant 0.000000e+00 : f32
      %broadcast_in_dim3A_368 = vector.broadcast %broadcast_in_dim3A_367 : f32 to vector<16xf32>
      %broadcast_in_dim3A_369 = arith.constant 0.000000e+00 : f32
      %broadcast_in_dim3A_370 = vector.broadcast %broadcast_in_dim3A_369 : f32 to vector<16xf32>
      %broadcast_in_dim3A_371 = arith.constant 0.000000e+00 : f32
      %broadcast_in_dim3A_372 = vector.broadcast %broadcast_in_dim3A_371 : f32 to vector<16xf32>
      %broadcast_in_dim3A_373 = arith.constant 0.000000e+00 : f32
      %broadcast_in_dim3A_374 = vector.broadcast %broadcast_in_dim3A_373 : f32 to vector<16xf32>
      %broadcast_in_dim3A_375 = arith.constant 0.000000e+00 : f32
      %broadcast_in_dim3A_376 = vector.broadcast %broadcast_in_dim3A_375 : f32 to vector<16xf32>
      %broadcast_in_dim3A_377 = arith.constant 0.000000e+00 : f32
      %broadcast_in_dim3A_378 = vector.broadcast %broadcast_in_dim3A_377 : f32 to vector<16xf32>
      %broadcast_in_dim3A_379 = arith.constant 0.000000e+00 : f32
      %broadcast_in_dim3A_380 = vector.broadcast %broadcast_in_dim3A_379 : f32 to vector<16xf32>
      %broadcast_in_dim3A_381 = arith.constant 0.000000e+00 : f32
      %broadcast_in_dim3A_382 = vector.broadcast %broadcast_in_dim3A_381 : f32 to vector<16xf32>
      %broadcast_in_dim3A_383 = arith.constant 0.000000e+00 : f32
      %broadcast_in_dim3A_384 = vector.broadcast %broadcast_in_dim3A_383 : f32 to vector<16xf32>
      %broadcast_in_dim3A_385 = arith.constant 0.000000e+00 : f32
      %broadcast_in_dim3A_386 = vector.broadcast %broadcast_in_dim3A_385 : f32 to vector<16xf32>
      %broadcast_in_dim3A_387 = arith.constant 0.000000e+00 : f32
      %broadcast_in_dim3A_388 = vector.broadcast %broadcast_in_dim3A_387 : f32 to vector<16xf32>
      %broadcast_in_dim3A_389 = arith.constant 0.000000e+00 : f32
      %broadcast_in_dim3A_390 = vector.broadcast %broadcast_in_dim3A_389 : f32 to vector<16xf32>
      %broadcast_in_dim3A_391 = arith.constant 0.000000e+00 : f32
      %broadcast_in_dim3A_392 = vector.broadcast %broadcast_in_dim3A_391 : f32 to vector<16xf32>
      %broadcast_in_dim3A_393 = arith.constant 0.000000e+00 : f32
      %broadcast_in_dim3A_394 = vector.broadcast %broadcast_in_dim3A_393 : f32 to vector<16xf32>
      %broadcast_in_dim3A_395 = arith.constant 0.000000e+00 : f32
      %broadcast_in_dim3A_396 = vector.broadcast %broadcast_in_dim3A_395 : f32 to vector<16xf32>
      %broadcast_in_dim3A_397 = arith.constant 0.000000e+00 : f32
      %broadcast_in_dim3A_398 = vector.broadcast %broadcast_in_dim3A_397 : f32 to vector<16xf32>
      %broadcast_in_dim3A_399 = arith.constant 0.000000e+00 : f32
      %broadcast_in_dim3A_400 = vector.broadcast %broadcast_in_dim3A_399 : f32 to vector<16xf32>
      %broadcast_in_dim3A_401 = arith.constant 0.000000e+00 : f32
      %broadcast_in_dim3A_402 = vector.broadcast %broadcast_in_dim3A_401 : f32 to vector<16xf32>
      %scan3A_403 = arith.constant 0 : i32
      %scan3A_404 = arith.constant 50 : i32
      %scan3A_405 = arith.addi %scan3A_403, %scan3A_404 : i32
      %scan3A_406 = arith.constant 1 : i32
      %scan3A_407:19 = scf.for %scan3A_593 = %scan3A_403 to %scan3A_405 step %scan3A_406 iter_args(%scan3A_594 = %broadcast_in_dim3A_366, %scan3A_595 = %broadcast_in_dim3A_368, %scan3A_596 = %broadcast_in_dim3A_370, %scan3A_597 = %broadcast_in_dim3A_372, %scan3A_598 = %broadcast_in_dim3A_374, %scan3A_599 = %broadcast_in_dim3A_376, %scan3A_600 = %broadcast_in_dim3A_378, %scan3A_601 = %broadcast_in_dim3A_380, %scan3A_602 = %broadcast_in_dim3A_382, %scan3A_603 = %broadcast_in_dim3A_384, %scan3A_604 = %broadcast_in_dim3A_386, %scan3A_605 = %broadcast_in_dim3A_388, %scan3A_606 = %broadcast_in_dim3A_390, %scan3A_607 = %broadcast_in_dim3A_392, %scan3A_608 = %broadcast_in_dim3A_394, %scan3A_609 = %broadcast_in_dim3A_396, %scan3A_610 = %broadcast_in_dim3A_398, %scan3A_611 = %broadcast_in_dim3A_400, %scan3A_612 = %broadcast_in_dim3A_402) -> (vector<16xf32>, vector<16xf32>, vector<16xf32>, vector<16xf32>, vector<16xf32>, vector<16xf32>, vector<16xf32>, vector<16xf32>, vector<16xf32>, vector<16xf32>, vector<16xf32>, vector<16xf32>, vector<16xf32>, vector<16xf32>, vector<16xf32>, vector<16xf32>, vector<16xf32>, vector<16xf32>, vector<16xf32>)  : i32 {
        %get3A_613 = arith.index_cast %scan3A_593 : i32 to index
        %get3A_614 = arith.constant 0 : index
        %get3A_615 = tpu.vector_load %arg10[%get3A_613, %get3A_614] {strides = array<i32>} : memref<50x384xf32, #tpu.memory_space<vmem>>, vector<1x16xf32>,
        %get3A_616 = vector.shape_cast %get3A_615 : vector<1x16xf32> to vector<16xf32>
        %add3A_617 = arith.addf %scan3A_594, %get3A_616 : vector<16xf32>
        %get3A_618 = arith.index_cast %scan3A_593 : i32 to index
        %get3A_619 = arith.constant 16 : index
        %get3A_620 = tpu.vector_load %arg10[%get3A_618, %get3A_619] {strides = array<i32>} : memref<50x384xf32, #tpu.memory_space<vmem>>, vector<1x16xf32>,
        %get3A_621 = vector.shape_cast %get3A_620 : vector<1x16xf32> to vector<16xf32>
        %add3A_622 = arith.addf %scan3A_595, %get3A_621 : vector<16xf32>
        %get3A_623 = arith.index_cast %scan3A_593 : i32 to index
        %get3A_624 = arith.constant 32 : index
        %get3A_625 = tpu.vector_load %arg10[%get3A_623, %get3A_624] {strides = array<i32>} : memref<50x384xf32, #tpu.memory_space<vmem>>, vector<1x16xf32>,
        %get3A_626 = vector.shape_cast %get3A_625 : vector<1x16xf32> to vector<16xf32>
        %add3A_627 = arith.addf %scan3A_596, %get3A_626 : vector<16xf32>
        %get3A_628 = arith.index_cast %scan3A_593 : i32 to index
        %get3A_629 = arith.constant 48 : index
        %get3A_630 = tpu.vector_load %arg10[%get3A_628, %get3A_629] {strides = array<i32>} : memref<50x384xf32, #tpu.memory_space<vmem>>, vector<1x16xf32>,
        %get3A_631 = vector.shape_cast %get3A_630 : vector<1x16xf32> to vector<16xf32>
        %add3A_632 = arith.addf %scan3A_597, %get3A_631 : vector<16xf32>
        %get3A_633 = arith.index_cast %scan3A_593 : i32 to index
        %get3A_634 = arith.constant 64 : index
        %get3A_635 = tpu.vector_load %arg10[%get3A_633, %get3A_634] {strides = array<i32>} : memref<50x384xf32, #tpu.memory_space<vmem>>, vector<1x16xf32>,
        %get3A_636 = vector.shape_cast %get3A_635 : vector<1x16xf32> to vector<16xf32>
        %add3A_637 = arith.addf %scan3A_598, %get3A_636 : vector<16xf32>
        %get3A_638 = arith.index_cast %scan3A_593 : i32 to index
        %get3A_639 = arith.constant 80 : index
        %get3A_640 = tpu.vector_load %arg10[%get3A_638, %get3A_639] {strides = array<i32>} : memref<50x384xf32, #tpu.memory_space<vmem>>, vector<1x16xf32>,
        %get3A_641 = vector.shape_cast %get3A_640 : vector<1x16xf32> to vector<16xf32>
        %add3A_642 = arith.addf %scan3A_599, %get3A_641 : vector<16xf32>
        %get3A_643 = arith.index_cast %scan3A_593 : i32 to index
        %get3A_644 = arith.constant 96 : index
        %get3A_645 = tpu.vector_load %arg10[%get3A_643, %get3A_644] {strides = array<i32>} : memref<50x384xf32, #tpu.memory_space<vmem>>, vector<1x16xf32>,
        %get3A_646 = vector.shape_cast %get3A_645 : vector<1x16xf32> to vector<16xf32>
        %add3A_647 = arith.addf %scan3A_600, %get3A_646 : vector<16xf32>
        %get3A_648 = arith.index_cast %scan3A_593 : i32 to index
        %get3A_649 = arith.constant 112 : index
        %get3A_650 = tpu.vector_load %arg10[%get3A_648, %get3A_649] {strides = array<i32>} : memref<50x384xf32, #tpu.memory_space<vmem>>, vector<1x16xf32>,
        %get3A_651 = vector.shape_cast %get3A_650 : vector<1x16xf32> to vector<16xf32>
        %add3A_652 = arith.addf %scan3A_601, %get3A_651 : vector<16xf32>
        %get3A_653 = arith.index_cast %scan3A_593 : i32 to index
        %get3A_654 = arith.constant 128 : index
        %get3A_655 = tpu.vector_load %arg10[%get3A_653, %get3A_654] {strides = array<i32>} : memref<50x384xf32, #tpu.memory_space<vmem>>, vector<1x16xf32>,
        %get3A_656 = vector.shape_cast %get3A_655 : vector<1x16xf32> to vector<16xf32>
        %add3A_657 = arith.addf %scan3A_602, %get3A_656 : vector<16xf32>
        %get3A_658 = arith.index_cast %scan3A_593 : i32 to index
        %get3A_659 = arith.constant 144 : index
        %get3A_660 = tpu.vector_load %arg10[%get3A_658, %get3A_659] {strides = array<i32>} : memref<50x384xf32, #tpu.memory_space<vmem>>, vector<1x16xf32>,
        %get3A_661 = vector.shape_cast %get3A_660 : vector<1x16xf32> to vector<16xf32>
        %add3A_662 = arith.addf %scan3A_603, %get3A_661 : vector<16xf32>
        %get3A_663 = arith.index_cast %scan3A_593 : i32 to index
        %get3A_664 = arith.constant 160 : index
        %get3A_665 = tpu.vector_load %arg10[%get3A_663, %get3A_664] {strides = array<i32>} : memref<50x384xf32, #tpu.memory_space<vmem>>, vector<1x16xf32>,
        %get3A_666 = vector.shape_cast %get3A_665 : vector<1x16xf32> to vector<16xf32>
        %add3A_667 = arith.addf %scan3A_604, %get3A_666 : vector<16xf32>
        %get3A_668 = arith.index_cast %scan3A_593 : i32 to index
        %get3A_669 = arith.constant 176 : index
        %get3A_670 = tpu.vector_load %arg10[%get3A_668, %get3A_669] {strides = array<i32>} : memref<50x384xf32, #tpu.memory_space<vmem>>, vector<1x16xf32>,
        %get3A_671 = vector.shape_cast %get3A_670 : vector<1x16xf32> to vector<16xf32>
        %add3A_672 = arith.addf %scan3A_605, %get3A_671 : vector<16xf32>
        %get3A_673 = arith.index_cast %scan3A_593 : i32 to index
        %get3A_674 = arith.constant 192 : index
        %get3A_675 = tpu.vector_load %arg10[%get3A_673, %get3A_674] {strides = array<i32>} : memref<50x384xf32, #tpu.memory_space<vmem>>, vector<1x16xf32>,
        %get3A_676 = vector.shape_cast %get3A_675 : vector<1x16xf32> to vector<16xf32>
        %add3A_677 = arith.addf %scan3A_606, %get3A_676 : vector<16xf32>
        %get3A_678 = arith.index_cast %scan3A_593 : i32 to index
        %get3A_679 = arith.constant 208 : index
        %get3A_680 = tpu.vector_load %arg10[%get3A_678, %get3A_679] {strides = array<i32>} : memref<50x384xf32, #tpu.memory_space<vmem>>, vector<1x16xf32>,
        %get3A_681 = vector.shape_cast %get3A_680 : vector<1x16xf32> to vector<16xf32>
        %add3A_682 = arith.addf %scan3A_607, %get3A_681 : vector<16xf32>
        %get3A_683 = arith.index_cast %scan3A_593 : i32 to index
        %get3A_684 = arith.constant 224 : index
        %get3A_685 = tpu.vector_load %arg10[%get3A_683, %get3A_684] {strides = array<i32>} : memref<50x384xf32, #tpu.memory_space<vmem>>, vector<1x16xf32>,
        %get3A_686 = vector.shape_cast %get3A_685 : vector<1x16xf32> to vector<16xf32>
        %add3A_687 = arith.addf %scan3A_608, %get3A_686 : vector<16xf32>
        %get3A_688 = arith.index_cast %scan3A_593 : i32 to index
        %get3A_689 = arith.constant 240 : index
        %get3A_690 = tpu.vector_load %arg10[%get3A_688, %get3A_689] {strides = array<i32>} : memref<50x384xf32, #tpu.memory_space<vmem>>, vector<1x16xf32>,
        %get3A_691 = vector.shape_cast %get3A_690 : vector<1x16xf32> to vector<16xf32>
        %add3A_692 = arith.addf %scan3A_609, %get3A_691 : vector<16xf32>
        %get3A_693 = arith.index_cast %scan3A_593 : i32 to index
        %get3A_694 = arith.constant 256 : index
        %get3A_695 = tpu.vector_load %arg10[%get3A_693, %get3A_694] {strides = array<i32>} : memref<50x384xf32, #tpu.memory_space<vmem>>, vector<1x16xf32>,
        %get3A_696 = vector.shape_cast %get3A_695 : vector<1x16xf32> to vector<16xf32>
        %add3A_697 = arith.addf %scan3A_610, %get3A_696 : vector<16xf32>
        %get3A_698 = arith.index_cast %scan3A_593 : i32 to index
        %get3A_699 = arith.constant 272 : index
        %get3A_700 = tpu.vector_load %arg10[%get3A_698, %get3A_699] {strides = array<i32>} : memref<50x384xf32, #tpu.memory_space<vmem>>, vector<1x16xf32>,
        %get3A_701 = vector.shape_cast %get3A_700 : vector<1x16xf32> to vector<16xf32>
        %add3A_702 = arith.addf %scan3A_611, %get3A_701 : vector<16xf32>
        %get3A_703 = arith.index_cast %scan3A_593 : i32 to index
        %get3A_704 = arith.constant 288 : index
        %get3A_705 = tpu.vector_load %arg10[%get3A_703, %get3A_704] {strides = array<i32>} : memref<50x384xf32, #tpu.memory_space<vmem>>, vector<1x16xf32>,
        %get3A_706 = vector.shape_cast %get3A_705 : vector<1x16xf32> to vector<16xf32>
        %add3A_707 = arith.addf %scan3A_612, %get3A_706 : vector<16xf32>
        scf.yield %add3A_617, %add3A_622, %add3A_627, %add3A_632, %add3A_637, %add3A_642, %add3A_647, %add3A_652, %add3A_657, %add3A_662, %add3A_667, %add3A_672, %add3A_677, %add3A_682, %add3A_687, %add3A_692, %add3A_697, %add3A_702, %add3A_707 : vector<16xf32>, vector<16xf32>, vector<16xf32>, vector<16xf32>, vector<16xf32>, vector<16xf32>, vector<16xf32>, vector<16xf32>, vector<16xf32>, vector<16xf32>, vector<16xf32>, vector<16xf32>, vector<16xf32>, vector<16xf32>, vector<16xf32>, vector<16xf32>, vector<16xf32>, vector<16xf32>, vector<16xf32>
      }
      %scan3A_408 = arith.constant 50 : i32
      %mul3A_409 = arith.constant 2.000000e-02 : f32
      %mul3A_410 = vector.broadcast %mul3A_409 : f32 to vector<16xf32>
      %mul3A_411 = arith.mulf %scan3A_407#0, %mul3A_410 : vector<16xf32>
      %swap3A_412 = arith.index_cast %add3A_364 : i32 to index
      %swap3A_413 = arith.constant 0 : index
      %swap3A_414 = tpu.vector_load %arg11[%swap3A_412, %swap3A_413] {strides = array<i32>} : memref<128x384xf32, #tpu.memory_space<vmem>>, vector<1x16xf32>,
      %swap3A_415 = vector.shape_cast %swap3A_414 : vector<1x16xf32> to vector<16xf32>
      %swap3A_416 = vector.shape_cast %mul3A_411 : vector<16xf32> to vector<1x16xf32>
      tpu.vector_store %arg11[%swap3A_412, %swap3A_413], %swap3A_416 {strides = array<i32>} : memref<128x384xf32, #tpu.memory_space<vmem>>, vector<1x16xf32>,
      %mul3A_417 = arith.constant 2.000000e-02 : f32
      %mul3A_418 = vector.broadcast %mul3A_417 : f32 to vector<16xf32>
      %mul3A_419 = arith.mulf %scan3A_407#1, %mul3A_418 : vector<16xf32>
      %swap3A_420 = arith.index_cast %add3A_364 : i32 to index
      %swap3A_421 = arith.constant 16 : index
      %swap3A_422 = tpu.vector_load %arg11[%swap3A_420, %swap3A_421] {strides = array<i32>} : memref<128x384xf32, #tpu.memory_space<vmem>>, vector<1x16xf32>,
      %swap3A_423 = vector.shape_cast %swap3A_422 : vector<1x16xf32> to vector<16xf32>
      %swap3A_424 = vector.shape_cast %mul3A_419 : vector<16xf32> to vector<1x16xf32>
      tpu.vector_store %arg11[%swap3A_420, %swap3A_421], %swap3A_424 {strides = array<i32>} : memref<128x384xf32, #tpu.memory_space<vmem>>, vector<1x16xf32>,
      %mul3A_425 = arith.constant 2.000000e-02 : f32
      %mul3A_426 = vector.broadcast %mul3A_425 : f32 to vector<16xf32>
      %mul3A_427 = arith.mulf %scan3A_407#2, %mul3A_426 : vector<16xf32>
      %swap3A_428 = arith.index_cast %add3A_364 : i32 to index
      %swap3A_429 = arith.constant 32 : index
      %swap3A_430 = tpu.vector_load %arg11[%swap3A_428, %swap3A_429] {strides = array<i32>} : memref<128x384xf32, #tpu.memory_space<vmem>>, vector<1x16xf32>,
      %swap3A_431 = vector.shape_cast %swap3A_430 : vector<1x16xf32> to vector<16xf32>
      %swap3A_432 = vector.shape_cast %mul3A_427 : vector<16xf32> to vector<1x16xf32>
      tpu.vector_store %arg11[%swap3A_428, %swap3A_429], %swap3A_432 {strides = array<i32>} : memref<128x384xf32, #tpu.memory_space<vmem>>, vector<1x16xf32>,
      %mul3A_433 = arith.constant 2.000000e-02 : f32
      %mul3A_434 = vector.broadcast %mul3A_433 : f32 to vector<16xf32>
      %mul3A_435 = arith.mulf %scan3A_407#3, %mul3A_434 : vector<16xf32>
      %swap3A_436 = arith.index_cast %add3A_364 : i32 to index
      %swap3A_437 = arith.constant 48 : index
      %swap3A_438 = tpu.vector_load %arg11[%swap3A_436, %swap3A_437] {strides = array<i32>} : memref<128x384xf32, #tpu.memory_space<vmem>>, vector<1x16xf32>,
      %swap3A_439 = vector.shape_cast %swap3A_438 : vector<1x16xf32> to vector<16xf32>
      %swap3A_440 = vector.shape_cast %mul3A_435 : vector<16xf32> to vector<1x16xf32>
      tpu.vector_store %arg11[%swap3A_436, %swap3A_437], %swap3A_440 {strides = array<i32>} : memref<128x384xf32, #tpu.memory_space<vmem>>, vector<1x16xf32>,
      %mul3A_441 = arith.constant 2.000000e-02 : f32
      %mul3A_442 = vector.broadcast %mul3A_441 : f32 to vector<16xf32>
      %mul3A_443 = arith.mulf %scan3A_407#4, %mul3A_442 : vector<16xf32>
      %swap3A_444 = arith.index_cast %add3A_364 : i32 to index
      %swap3A_445 = arith.constant 64 : index
      %swap3A_446 = tpu.vector_load %arg11[%swap3A_444, %swap3A_445] {strides = array<i32>} : memref<128x384xf32, #tpu.memory_space<vmem>>, vector<1x16xf32>,
      %swap3A_447 = vector.shape_cast %swap3A_446 : vector<1x16xf32> to vector<16xf32>
      %swap3A_448 = vector.shape_cast %mul3A_443 : vector<16xf32> to vector<1x16xf32>
      tpu.vector_store %arg11[%swap3A_444, %swap3A_445], %swap3A_448 {strides = array<i32>} : memref<128x384xf32, #tpu.memory_space<vmem>>, vector<1x16xf32>,
      %mul3A_449 = arith.constant 2.000000e-02 : f32
      %mul3A_450 = vector.broadcast %mul3A_449 : f32 to vector<16xf32>
      %mul3A_451 = arith.mulf %scan3A_407#5, %mul3A_450 : vector<16xf32>
      %swap3A_452 = arith.index_cast %add3A_364 : i32 to index
      %swap3A_453 = arith.constant 80 : index
      %swap3A_454 = tpu.vector_load %arg11[%swap3A_452, %swap3A_453] {strides = array<i32>} : memref<128x384xf32, #tpu.memory_space<vmem>>, vector<1x16xf32>,
      %swap3A_455 = vector.shape_cast %swap3A_454 : vector<1x16xf32> to vector<16xf32>
      %swap3A_456 = vector.shape_cast %mul3A_451 : vector<16xf32> to vector<1x16xf32>
      tpu.vector_store %arg11[%swap3A_452, %swap3A_453], %swap3A_456 {strides = array<i32>} : memref<128x384xf32, #tpu.memory_space<vmem>>, vector<1x16xf32>,
      %mul3A_457 = arith.constant 2.000000e-02 : f32
      %mul3A_458 = vector.broadcast %mul3A_457 : f32 to vector<16xf32>
      %mul3A_459 = arith.mulf %scan3A_407#6, %mul3A_458 : vector<16xf32>
      %swap3A_460 = arith.index_cast %add3A_364 : i32 to index
      %swap3A_461 = arith.constant 96 : index
      %swap3A_462 = tpu.vector_load %arg11[%swap3A_460, %swap3A_461] {strides = array<i32>} : memref<128x384xf32, #tpu.memory_space<vmem>>, vector<1x16xf32>,
      %swap3A_463 = vector.shape_cast %swap3A_462 : vector<1x16xf32> to vector<16xf32>
      %swap3A_464 = vector.shape_cast %mul3A_459 : vector<16xf32> to vector<1x16xf32>
      tpu.vector_store %arg11[%swap3A_460, %swap3A_461], %swap3A_464 {strides = array<i32>} : memref<128x384xf32, #tpu.memory_space<vmem>>, vector<1x16xf32>,
      %mul3A_465 = arith.constant 2.000000e-02 : f32
      %mul3A_466 = vector.broadcast %mul3A_465 : f32 to vector<16xf32>
      %mul3A_467 = arith.mulf %scan3A_407#7, %mul3A_466 : vector<16xf32>
      %swap3A_468 = arith.index_cast %add3A_364 : i32 to index
      %swap3A_469 = arith.constant 112 : index
      %swap3A_470 = tpu.vector_load %arg11[%swap3A_468, %swap3A_469] {strides = array<i32>} : memref<128x384xf32, #tpu.memory_space<vmem>>, vector<1x16xf32>,
      %swap3A_471 = vector.shape_cast %swap3A_470 : vector<1x16xf32> to vector<16xf32>
      %swap3A_472 = vector.shape_cast %mul3A_467 : vector<16xf32> to vector<1x16xf32>
      tpu.vector_store %arg11[%swap3A_468, %swap3A_469], %swap3A_472 {strides = array<i32>} : memref<128x384xf32, #tpu.memory_space<vmem>>, vector<1x16xf32>,
      %mul3A_473 = arith.constant 2.000000e-02 : f32
      %mul3A_474 = vector.broadcast %mul3A_473 : f32 to vector<16xf32>
      %mul3A_475 = arith.mulf %scan3A_407#8, %mul3A_474 : vector<16xf32>
      %swap3A_476 = arith.index_cast %add3A_364 : i32 to index
      %swap3A_477 = arith.constant 128 : index
      %swap3A_478 = tpu.vector_load %arg11[%swap3A_476, %swap3A_477] {strides = array<i32>} : memref<128x384xf32, #tpu.memory_space<vmem>>, vector<1x16xf32>,
      %swap3A_479 = vector.shape_cast %swap3A_478 : vector<1x16xf32> to vector<16xf32>
      %swap3A_480 = vector.shape_cast %mul3A_475 : vector<16xf32> to vector<1x16xf32>
      tpu.vector_store %arg11[%swap3A_476, %swap3A_477], %swap3A_480 {strides = array<i32>} : memref<128x384xf32, #tpu.memory_space<vmem>>, vector<1x16xf32>,
      %mul3A_481 = arith.constant 2.000000e-02 : f32
      %mul3A_482 = vector.broadcast %mul3A_481 : f32 to vector<16xf32>
      %mul3A_483 = arith.mulf %scan3A_407#9, %mul3A_482 : vector<16xf32>
      %swap3A_484 = arith.index_cast %add3A_364 : i32 to index
      %swap3A_485 = arith.constant 144 : index
      %swap3A_486 = tpu.vector_load %arg11[%swap3A_484, %swap3A_485] {strides = array<i32>} : memref<128x384xf32, #tpu.memory_space<vmem>>, vector<1x16xf32>,
      %swap3A_487 = vector.shape_cast %swap3A_486 : vector<1x16xf32> to vector<16xf32>
      %swap3A_488 = vector.shape_cast %mul3A_483 : vector<16xf32> to vector<1x16xf32>
      tpu.vector_store %arg11[%swap3A_484, %swap3A_485], %swap3A_488 {strides = array<i32>} : memref<128x384xf32, #tpu.memory_space<vmem>>, vector<1x16xf32>,
      %mul3A_489 = arith.constant 2.000000e-02 : f32
      %mul3A_490 = vector.broadcast %mul3A_489 : f32 to vector<16xf32>
      %mul3A_491 = arith.mulf %scan3A_407#10, %mul3A_490 : vector<16xf32>
      %swap3A_492 = arith.index_cast %add3A_364 : i32 to index
      %swap3A_493 = arith.constant 160 : index
      %swap3A_494 = tpu.vector_load %arg11[%swap3A_492, %swap3A_493] {strides = array<i32>} : memref<128x384xf32, #tpu.memory_space<vmem>>, vector<1x16xf32>,
      %swap3A_495 = vector.shape_cast %swap3A_494 : vector<1x16xf32> to vector<16xf32>
      %swap3A_496 = vector.shape_cast %mul3A_491 : vector<16xf32> to vector<1x16xf32>
      tpu.vector_store %arg11[%swap3A_492, %swap3A_493], %swap3A_496 {strides = array<i32>} : memref<128x384xf32, #tpu.memory_space<vmem>>, vector<1x16xf32>,
      %mul3A_497 = arith.constant 2.000000e-02 : f32
      %mul3A_498 = vector.broadcast %mul3A_497 : f32 to vector<16xf32>
      %mul3A_499 = arith.mulf %scan3A_407#11, %mul3A_498 : vector<16xf32>
      %swap3A_500 = arith.index_cast %add3A_364 : i32 to index
      %swap3A_501 = arith.constant 176 : index
      %swap3A_502 = tpu.vector_load %arg11[%swap3A_500, %swap3A_501] {strides = array<i32>} : memref<128x384xf32, #tpu.memory_space<vmem>>, vector<1x16xf32>,
      %swap3A_503 = vector.shape_cast %swap3A_502 : vector<1x16xf32> to vector<16xf32>
      %swap3A_504 = vector.shape_cast %mul3A_499 : vector<16xf32> to vector<1x16xf32>
      tpu.vector_store %arg11[%swap3A_500, %swap3A_501], %swap3A_504 {strides = array<i32>} : memref<128x384xf32, #tpu.memory_space<vmem>>, vector<1x16xf32>,
      %mul3A_505 = arith.constant 2.000000e-02 : f32
      %mul3A_506 = vector.broadcast %mul3A_505 : f32 to vector<16xf32>
      %mul3A_507 = arith.mulf %scan3A_407#12, %mul3A_506 : vector<16xf32>
      %swap3A_508 = arith.index_cast %add3A_364 : i32 to index
      %swap3A_509 = arith.constant 192 : index
      %swap3A_510 = tpu.vector_load %arg11[%swap3A_508, %swap3A_509] {strides = array<i32>} : memref<128x384xf32, #tpu.memory_space<vmem>>, vector<1x16xf32>,
      %swap3A_511 = vector.shape_cast %swap3A_510 : vector<1x16xf32> to vector<16xf32>
      %swap3A_512 = vector.shape_cast %mul3A_507 : vector<16xf32> to vector<1x16xf32>
      tpu.vector_store %arg11[%swap3A_508, %swap3A_509], %swap3A_512 {strides = array<i32>} : memref<128x384xf32, #tpu.memory_space<vmem>>, vector<1x16xf32>,
      %mul3A_513 = arith.constant 2.000000e-02 : f32
      %mul3A_514 = vector.broadcast %mul3A_513 : f32 to vector<16xf32>
      %mul3A_515 = arith.mulf %scan3A_407#13, %mul3A_514 : vector<16xf32>
      %swap3A_516 = arith.index_cast %add3A_364 : i32 to index
      %swap3A_517 = arith.constant 208 : index
      %swap3A_518 = tpu.vector_load %arg11[%swap3A_516, %swap3A_517] {strides = array<i32>} : memref<128x384xf32, #tpu.memory_space<vmem>>, vector<1x16xf32>,
      %swap3A_519 = vector.shape_cast %swap3A_518 : vector<1x16xf32> to vector<16xf32>
      %swap3A_520 = vector.shape_cast %mul3A_515 : vector<16xf32> to vector<1x16xf32>
      tpu.vector_store %arg11[%swap3A_516, %swap3A_517], %swap3A_520 {strides = array<i32>} : memref<128x384xf32, #tpu.memory_space<vmem>>, vector<1x16xf32>,
      %mul3A_521 = arith.constant 2.000000e-02 : f32
      %mul3A_522 = vector.broadcast %mul3A_521 : f32 to vector<16xf32>
      %mul3A_523 = arith.mulf %scan3A_407#14, %mul3A_522 : vector<16xf32>
      %swap3A_524 = arith.index_cast %add3A_364 : i32 to index
      %swap3A_525 = arith.constant 224 : index
      %swap3A_526 = tpu.vector_load %arg11[%swap3A_524, %swap3A_525] {strides = array<i32>} : memref<128x384xf32, #tpu.memory_space<vmem>>, vector<1x16xf32>,
      %swap3A_527 = vector.shape_cast %swap3A_526 : vector<1x16xf32> to vector<16xf32>
      %swap3A_528 = vector.shape_cast %mul3A_523 : vector<16xf32> to vector<1x16xf32>
      tpu.vector_store %arg11[%swap3A_524, %swap3A_525], %swap3A_528 {strides = array<i32>} : memref<128x384xf32, #tpu.memory_space<vmem>>, vector<1x16xf32>,
      %mul3A_529 = arith.constant 2.000000e-02 : f32
      %mul3A_530 = vector.broadcast %mul3A_529 : f32 to vector<16xf32>
      %mul3A_531 = arith.mulf %scan3A_407#15, %mul3A_530 : vector<16xf32>
      %swap3A_532 = arith.index_cast %add3A_364 : i32 to index
      %swap3A_533 = arith.constant 240 : index
      %swap3A_534 = tpu.vector_load %arg11[%swap3A_532, %swap3A_533] {strides = array<i32>} : memref<128x384xf32, #tpu.memory_space<vmem>>, vector<1x16xf32>,
      %swap3A_535 = vector.shape_cast %swap3A_534 : vector<1x16xf32> to vector<16xf32>
      %swap3A_536 = vector.shape_cast %mul3A_531 : vector<16xf32> to vector<1x16xf32>
      tpu.vector_store %arg11[%swap3A_532, %swap3A_533], %swap3A_536 {strides = array<i32>} : memref<128x384xf32, #tpu.memory_space<vmem>>, vector<1x16xf32>,
      %mul3A_537 = arith.constant 2.000000e-02 : f32
      %mul3A_538 = vector.broadcast %mul3A_537 : f32 to vector<16xf32>
      %mul3A_539 = arith.mulf %scan3A_407#16, %mul3A_538 : vector<16xf32>
      %swap3A_540 = arith.index_cast %add3A_364 : i32 to index
      %swap3A_541 = arith.constant 256 : index
      %swap3A_542 = tpu.vector_load %arg11[%swap3A_540, %swap3A_541] {strides = array<i32>} : memref<128x384xf32, #tpu.memory_space<vmem>>, vector<1x16xf32>,
      %swap3A_543 = vector.shape_cast %swap3A_542 : vector<1x16xf32> to vector<16xf32>
      %swap3A_544 = vector.shape_cast %mul3A_539 : vector<16xf32> to vector<1x16xf32>
      tpu.vector_store %arg11[%swap3A_540, %swap3A_541], %swap3A_544 {strides = array<i32>} : memref<128x384xf32, #tpu.memory_space<vmem>>, vector<1x16xf32>,
      %mul3A_545 = arith.constant 2.000000e-02 : f32
      %mul3A_546 = vector.broadcast %mul3A_545 : f32 to vector<16xf32>
      %mul3A_547 = arith.mulf %scan3A_407#17, %mul3A_546 : vector<16xf32>
      %swap3A_548 = arith.index_cast %add3A_364 : i32 to index
      %swap3A_549 = arith.constant 272 : index
      %swap3A_550 = tpu.vector_load %arg11[%swap3A_548, %swap3A_549] {strides = array<i32>} : memref<128x384xf32, #tpu.memory_space<vmem>>, vector<1x16xf32>,
      %swap3A_551 = vector.shape_cast %swap3A_550 : vector<1x16xf32> to vector<16xf32>
      %swap3A_552 = vector.shape_cast %mul3A_547 : vector<16xf32> to vector<1x16xf32>
      tpu.vector_store %arg11[%swap3A_548, %swap3A_549], %swap3A_552 {strides = array<i32>} : memref<128x384xf32, #tpu.memory_space<vmem>>, vector<1x16xf32>,
      %mul3A_553 = arith.constant 2.000000e-02 : f32
      %mul3A_554 = vector.broadcast %mul3A_553 : f32 to vector<16xf32>
      %mul3A_555 = arith.mulf %scan3A_407#18, %mul3A_554 : vector<16xf32>
      %swap3A_556 = arith.index_cast %add3A_364 : i32 to index
      %swap3A_557 = arith.constant 288 : index
      %swap3A_558 = tpu.vector_load %arg11[%swap3A_556, %swap3A_557] {strides = array<i32>} : memref<128x384xf32, #tpu.memory_space<vmem>>, vector<1x16xf32>,
      %swap3A_559 = vector.shape_cast %swap3A_558 : vector<1x16xf32> to vector<16xf32>
      %swap3A_560 = vector.shape_cast %mul3A_555 : vector<16xf32> to vector<1x16xf32>
      tpu.vector_store %arg11[%swap3A_556, %swap3A_557], %swap3A_560 {strides = array<i32>} : memref<128x384xf32, #tpu.memory_space<vmem>>, vector<1x16xf32>,
      %swap3A_561 = arith.index_cast %add3A_364 : i32 to index
      %swap3A_562 = arith.constant 304 : index
      %swap3A_563 = tpu.vector_load %arg11[%swap3A_561, %swap3A_562] {strides = array<i32>} : memref<128x384xf32, #tpu.memory_space<vmem>>, vector<1x16xf32>,
      %swap3A_564 = vector.shape_cast %swap3A_563 : vector<1x16xf32> to vector<16xf32>
      %swap3A_565 = vector.shape_cast %broadcast_in_dim3A_5 : vector<16xf32> to vector<1x16xf32>
      tpu.vector_store %arg11[%swap3A_561, %swap3A_562], %swap3A_565 {strides = array<i32>} : memref<128x384xf32, #tpu.memory_space<vmem>>, vector<1x16xf32>,
      %swap3A_566 = arith.index_cast %add3A_364 : i32 to index
      %swap3A_567 = arith.constant 320 : index
      %swap3A_568 = tpu.vector_load %arg11[%swap3A_566, %swap3A_567] {strides = array<i32>} : memref<128x384xf32, #tpu.memory_space<vmem>>, vector<1x16xf32>,
      %swap3A_569 = vector.shape_cast %swap3A_568 : vector<1x16xf32> to vector<16xf32>
      %swap3A_570 = vector.shape_cast %broadcast_in_dim3A_5 : vector<16xf32> to vector<1x16xf32>
      tpu.vector_store %arg11[%swap3A_566, %swap3A_567], %swap3A_570 {strides = array<i32>} : memref<128x384xf32, #tpu.memory_space<vmem>>, vector<1x16xf32>,
      %swap3A_571 = arith.index_cast %add3A_364 : i32 to index
      %swap3A_572 = arith.constant 336 : index
      %swap3A_573 = tpu.vector_load %arg11[%swap3A_571, %swap3A_572] {strides = array<i32>} : memref<128x384xf32, #tpu.memory_space<vmem>>, vector<1x16xf32>,
      %swap3A_574 = vector.shape_cast %swap3A_573 : vector<1x16xf32> to vector<16xf32>
      %swap3A_575 = vector.shape_cast %broadcast_in_dim3A_5 : vector<16xf32> to vector<1x16xf32>
      tpu.vector_store %arg11[%swap3A_571, %swap3A_572], %swap3A_575 {strides = array<i32>} : memref<128x384xf32, #tpu.memory_space<vmem>>, vector<1x16xf32>,
      %swap3A_576 = arith.index_cast %add3A_364 : i32 to index
      %swap3A_577 = arith.constant 352 : index
      %swap3A_578 = tpu.vector_load %arg11[%swap3A_576, %swap3A_577] {strides = array<i32>} : memref<128x384xf32, #tpu.memory_space<vmem>>, vector<1x16xf32>,
      %swap3A_579 = vector.shape_cast %swap3A_578 : vector<1x16xf32> to vector<16xf32>
      %swap3A_580 = vector.shape_cast %broadcast_in_dim3A_5 : vector<16xf32> to vector<1x16xf32>
      tpu.vector_store %arg11[%swap3A_576, %swap3A_577], %swap3A_580 {strides = array<i32>} : memref<128x384xf32, #tpu.memory_space<vmem>>, vector<1x16xf32>,
      %swap3A_581 = arith.index_cast %add3A_364 : i32 to index
      %swap3A_582 = arith.constant 368 : index
      %swap3A_583 = tpu.vector_load %arg11[%swap3A_581, %swap3A_582] {strides = array<i32>} : memref<128x384xf32, #tpu.memory_space<vmem>>, vector<1x16xf32>,
      %swap3A_584 = vector.shape_cast %swap3A_583 : vector<1x16xf32> to vector<16xf32>
      %swap3A_585 = vector.shape_cast %broadcast_in_dim3A_5 : vector<16xf32> to vector<1x16xf32>
      tpu.vector_store %arg11[%swap3A_581, %swap3A_582], %swap3A_585 {strides = array<i32>} : memref<128x384xf32, #tpu.memory_space<vmem>>, vector<1x16xf32>,
      %add3A_586 = arith.constant 3 : i32
      %add3A_587 = arith.addi %mul3A_102, %add3A_586 : i32
      %lt3A_588 = arith.constant 128 : i32
      %lt3A_589 = arith.cmpi slt, %add3A_587, %lt3A_588 : i32
      %convert_element_type3A_590 = arith.extui %lt3A_589 : i1 to i32
      %cond3A_591 = arith.constant 0 : i32
      %cond3A_592 = arith.cmpi ne, %convert_element_type3A_590, %cond3A_591 : i32
      scf.if %cond3A_592 {
        %add3A_593 = arith.constant 3 : i32
        %add3A_594 = arith.addi %mul3A_102, %add3A_593 : i32
        %mul3A_595 = arith.constant 50 : i32
        %mul3A_596 = arith.muli %add3A_594, %mul3A_595 : i32
        %add3A_597 = arith.constant 0 : i32
        %add3A_598 = arith.addi %mul3A_596, %add3A_597 : i32
        %get3A_599 = arith.index_cast %add3A_598 : i32 to index
        %get3A_600 = tpu.vector_load %arg6[%get3A_599] {strides = array<i32>} : memref<6416xi32, #tpu.memory_space<vmem>>, vector<16xi32>,
        %get3A_601 = vector.shape_cast %get3A_600 : vector<16xi32> to vector<16xi32>
        %swap3A_602 = arith.constant 0 : index
        %swap3A_603 = tpu.vector_load %arg8[%swap3A_602] {strides = array<i32>} : memref<50xi32, #tpu.memory_space<vmem>>, vector<16xi32>,
        %swap3A_604 = vector.shape_cast %swap3A_603 : vector<16xi32> to vector<16xi32>
        %swap3A_605 = vector.shape_cast %get3A_601 : vector<16xi32> to vector<16xi32>
        tpu.vector_store %arg8[%swap3A_602], %swap3A_605 {strides = array<i32>} : memref<50xi32, #tpu.memory_space<vmem>>, vector<16xi32>,
        %mul3A_606 = arith.constant 50 : i32
        %mul3A_607 = arith.muli %add3A_594, %mul3A_606 : i32
        %add3A_608 = arith.constant 16 : i32
        %add3A_609 = arith.addi %mul3A_607, %add3A_608 : i32
        %get3A_610 = arith.index_cast %add3A_609 : i32 to index
        %get3A_611 = tpu.vector_load %arg6[%get3A_610] {strides = array<i32>} : memref<6416xi32, #tpu.memory_space<vmem>>, vector<16xi32>,
        %get3A_612 = vector.shape_cast %get3A_611 : vector<16xi32> to vector<16xi32>
        %swap3A_613 = arith.constant 16 : index
        %swap3A_614 = tpu.vector_load %arg8[%swap3A_613] {strides = array<i32>} : memref<50xi32, #tpu.memory_space<vmem>>, vector<16xi32>,
        %swap3A_615 = vector.shape_cast %swap3A_614 : vector<16xi32> to vector<16xi32>
        %swap3A_616 = vector.shape_cast %get3A_612 : vector<16xi32> to vector<16xi32>
        tpu.vector_store %arg8[%swap3A_613], %swap3A_616 {strides = array<i32>} : memref<50xi32, #tpu.memory_space<vmem>>, vector<16xi32>,
        %mul3A_617 = arith.constant 50 : i32
        %mul3A_618 = arith.muli %add3A_594, %mul3A_617 : i32
        %add3A_619 = arith.constant 32 : i32
        %add3A_620 = arith.addi %mul3A_618, %add3A_619 : i32
        %get3A_621 = arith.index_cast %add3A_620 : i32 to index
        %get3A_622 = tpu.vector_load %arg6[%get3A_621] {strides = array<i32>} : memref<6416xi32, #tpu.memory_space<vmem>>, vector<16xi32>,
        %get3A_623 = vector.shape_cast %get3A_622 : vector<16xi32> to vector<16xi32>
        %swap3A_624 = arith.constant 32 : index
        %swap3A_625 = tpu.vector_load %arg8[%swap3A_624] {strides = array<i32>} : memref<50xi32, #tpu.memory_space<vmem>>, vector<16xi32>,
        %swap3A_626 = vector.shape_cast %swap3A_625 : vector<16xi32> to vector<16xi32>
        %swap3A_627 = vector.shape_cast %get3A_623 : vector<16xi32> to vector<16xi32>
        tpu.vector_store %arg8[%swap3A_624], %swap3A_627 {strides = array<i32>} : memref<50xi32, #tpu.memory_space<vmem>>, vector<16xi32>,
        %mul3A_628 = arith.constant 50 : i32
        %mul3A_629 = arith.muli %add3A_594, %mul3A_628 : i32
        %add3A_630 = arith.constant 34 : i32
        %add3A_631 = arith.addi %mul3A_629, %add3A_630 : i32
        %get3A_632 = arith.index_cast %add3A_631 : i32 to index
        %get3A_633 = tpu.vector_load %arg6[%get3A_632] {strides = array<i32>} : memref<6416xi32, #tpu.memory_space<vmem>>, vector<16xi32>,
        %get3A_634 = vector.shape_cast %get3A_633 : vector<16xi32> to vector<16xi32>
        %swap3A_635 = arith.constant 34 : index
        %swap3A_636 = tpu.vector_load %arg8[%swap3A_635] {strides = array<i32>} : memref<50xi32, #tpu.memory_space<vmem>>, vector<16xi32>,
        %swap3A_637 = vector.shape_cast %swap3A_636 : vector<16xi32> to vector<16xi32>
        %swap3A_638 = vector.shape_cast %get3A_634 : vector<16xi32> to vector<16xi32>
        tpu.vector_store %arg8[%swap3A_635], %swap3A_638 {strides = array<i32>} : memref<50xi32, #tpu.memory_space<vmem>>, vector<16xi32>,
        %dma_start3A_639 = arith.constant 0 : i32
        %dma_start3A_640 = arith.constant 0 : i32
        %dma_start3A_641 = tpu.memref_slice %arg10[%dma_start3A_639, %dma_start3A_640] : memref<50x384xf32, #tpu.memory_space<vmem>> -> memref<50x128xf32, #tpu.memory_space<vmem>>
        %dma_start3A_642 = arith.constant 0 : i32
        %dma_start3A_643 = arith.constant 0 : i32
        %dma_start3A_644 = tpu.memref_slice %arg3[%dma_start3A_642, %dma_start3A_643] : memref<100000x300xf32, #tpu.memory_space<hbm>> -> memref<100000x128xf32, #tpu.memory_space<hbm>>
        tpu.enqueue_indirect_dma source(%dma_start3A_644 : memref<100000x128xf32, #tpu.memory_space<hbm>>) target(%dma_start3A_641 : memref<50x128xf32, #tpu.memory_space<vmem>>) offsets(%arg8 : memref<50xi32, #tpu.memory_space<vmem>>) semaphore(%arg13 : memref<!tpu.dma_semaphore, #tpu.memory_space<semaphore_mem>>)
        %dma_start3A_645 = arith.constant 0 : i32
        %dma_start3A_646 = arith.constant 128 : i32
        %dma_start3A_647 = tpu.memref_slice %arg10[%dma_start3A_645, %dma_start3A_646] : memref<50x384xf32, #tpu.memory_space<vmem>> -> memref<50x128xf32, #tpu.memory_space<vmem>>
        %dma_start3A_648 = arith.constant 0 : i32
        %dma_start3A_649 = arith.constant 128 : i32
        %dma_start3A_650 = tpu.memref_slice %arg3[%dma_start3A_648, %dma_start3A_649] : memref<100000x300xf32, #tpu.memory_space<hbm>> -> memref<100000x128xf32, #tpu.memory_space<hbm>>
        tpu.enqueue_indirect_dma source(%dma_start3A_650 : memref<100000x128xf32, #tpu.memory_space<hbm>>) target(%dma_start3A_647 : memref<50x128xf32, #tpu.memory_space<vmem>>) offsets(%arg8 : memref<50xi32, #tpu.memory_space<vmem>>) semaphore(%arg13 : memref<!tpu.dma_semaphore, #tpu.memory_space<semaphore_mem>>)
        %dma_start3A_651 = arith.constant 0 : i32
        %dma_start3A_652 = arith.constant 256 : i32
        %dma_start3A_653 = tpu.memref_slice %arg10[%dma_start3A_651, %dma_start3A_652] : memref<50x384xf32, #tpu.memory_space<vmem>> -> memref<50x128xf32, #tpu.memory_space<vmem>>
        %dma_start3A_654 = arith.constant 0 : i32
        %dma_start3A_655 = arith.constant 0 : i32
        %dma_start3A_656 = tpu.memref_slice %arg4[%dma_start3A_654, %dma_start3A_655] : memref<100000x128xf32, #tpu.memory_space<hbm>> -> memref<100000x128xf32, #tpu.memory_space<hbm>>
        tpu.enqueue_indirect_dma source(%dma_start3A_656 : memref<100000x128xf32, #tpu.memory_space<hbm>>) target(%dma_start3A_653 : memref<50x128xf32, #tpu.memory_space<vmem>>) offsets(%arg8 : memref<50xi32, #tpu.memory_space<vmem>>) semaphore(%arg13 : memref<!tpu.dma_semaphore, #tpu.memory_space<semaphore_mem>>)
      } else {
      }
    }
    %scan3A_99 = arith.constant 64 : i32
    "tpu.region"() ({
      %run_scoped3A = tpu.sem_alloc : memref<!tpu.dma_semaphore, #tpu.memory_space<semaphore_mem>>
      %dma_start3A_100 = arith.constant 0 : i32
      %dma_start3A_101 = tpu.memref_slice %arg5[%mul3A_2, %dma_start3A_100] : memref<4096x384xf32, #tpu.memory_space<hbm>> -> memref<128x384xf32, #tpu.memory_space<hbm>>
      %dma_start3A_102 = arith.constant 0 : i32
      %dma_start3A_103 = tpu.memref_slice %arg5[%mul3A_2, %dma_start3A_102] : memref<4096x384xf32, #tpu.memory_space<hbm>> -> memref<128x384xf32, #tpu.memory_space<hbm>>
      tpu.enqueue_dma source(%arg11 : memref<128x384xf32, #tpu.memory_space<vmem>>) target(%dma_start3A_103 : memref<128x384xf32, #tpu.memory_space<hbm>>) target_semaphore(%run_scoped3A : memref<!tpu.dma_semaphore, #tpu.memory_space<semaphore_mem>>)
      %dma_wait3A = arith.constant 0 : i32
      %dma_wait3A_104 = tpu.memref_slice %arg5[%mul3A_2, %dma_wait3A] : memref<4096x384xf32, #tpu.memory_space<hbm>> -> memref<128x384xf32, #tpu.memory_space<hbm>>
      %dma_wait3A_105 = arith.constant 0 : i32
      %dma_wait3A_106 = tpu.memref_slice %arg5[%mul3A_2, %dma_wait3A_105] : memref<4096x384xf32, #tpu.memory_space<hbm>> -> memref<128x384xf32, #tpu.memory_space<hbm>>
      tpu.wait_dma2 semaphore(%run_scoped3A : memref<!tpu.dma_semaphore, #tpu.memory_space<semaphore_mem>>) src(%arg11 : memref<128x384xf32, #tpu.memory_space<vmem>>) dst(%dma_wait3A_106 : memref<128x384xf32, #tpu.memory_space<hbm>>)
      tpu.yield
    }) : () -> ()
    return
  }
}

module attributes {stable_mosaic.version = 14 : i64} {
  func.func @_mlp_body(%arg0: memref<4096x384xf32, #tpu.memory_space<vmem>>, %arg1: memref<384x256xf32, #tpu.memory_space<vmem>>, %arg2: memref<1x256xf32, #tpu.memory_space<vmem>>, %arg3: memref<256x5xf32, #tpu.memory_space<vmem>>, %arg4: memref<1x5xf32, #tpu.memory_space<vmem>>, %arg5: memref<4096x5xf32, #tpu.memory_space<vmem>>) attributes {dimension_semantics = [], scalar_prefetch = 0 : i64, scratch_operands = 0 : i64, tpu.core_type = #tpu.core_type<tc>} {
    %get3A = arith.constant 0 : index
    %get3A_0 = arith.constant 0 : index
    %get3A_1 = vector.load %arg0[%get3A, %get3A_0] : memref<4096x384xf32, #tpu.memory_space<vmem>>, vector<4096x384xf32>
    %get3A_2 = arith.constant 0 : index
    %get3A_3 = arith.constant 0 : index
    %get3A_4 = vector.load %arg1[%get3A_2, %get3A_3] : memref<384x256xf32, #tpu.memory_space<vmem>>, vector<384x256xf32>
    %dot_general3A = arith.constant dense<0.000000e+00> : vector<4096x256xf32>
    %dot_general3A_5 = tpu.matmul %get3A_1, %get3A_4, %dot_general3A {dimension_numbers = #tpu.dot_dimension_numbers<[1], [0], [0], [1], [0, 0, 1, 1], [], []>, transpose_lhs_hint = false} : vector<4096x384xf32>, vector<384x256xf32>, vector<4096x256xf32> -> vector<4096x256xf32>
    %get3A_6 = arith.constant 0 : index
    %get3A_7 = arith.constant 0 : index
    %get3A_8 = vector.load %arg2[%get3A_6, %get3A_7] : memref<1x256xf32, #tpu.memory_space<vmem>>, vector<1x256xf32>
    %add3A = vector.broadcast %get3A_8 : vector<1x256xf32> to vector<4096x256xf32>
    %add3A_9 = arith.addf %dot_general3A_5, %add3A : vector<4096x256xf32>
    %max3A = arith.constant 0.000000e+00 : f32
    %max3A_10 = vector.broadcast %max3A : f32 to vector<4096x256xf32>
    %max3A_11 = arith.maximumf %add3A_9, %max3A_10 : vector<4096x256xf32>
    %get3A_12 = arith.constant 0 : index
    %get3A_13 = arith.constant 0 : index
    %get3A_14 = vector.load %arg3[%get3A_12, %get3A_13] : memref<256x5xf32, #tpu.memory_space<vmem>>, vector<256x5xf32>
    %dot_general3A_15 = arith.constant dense<0.000000e+00> : vector<4096x5xf32>
    %dot_general3A_16 = tpu.matmul %max3A_11, %get3A_14, %dot_general3A_15 {dimension_numbers = #tpu.dot_dimension_numbers<[1], [0], [0], [1], [0, 0, 1, 1], [], []>, transpose_lhs_hint = false} : vector<4096x256xf32>, vector<256x5xf32>, vector<4096x5xf32> -> vector<4096x5xf32>
    %get3A_17 = arith.constant 0 : index
    %get3A_18 = arith.constant 0 : index
    %get3A_19 = vector.load %arg4[%get3A_17, %get3A_18] : memref<1x5xf32, #tpu.memory_space<vmem>>, vector<1x5xf32>
    %add3A_20 = vector.broadcast %get3A_19 : vector<1x5xf32> to vector<4096x5xf32>
    %add3A_21 = arith.addf %dot_general3A_16, %add3A_20 : vector<4096x5xf32>
    %swap3A = arith.constant 0 : index
    %swap3A_22 = arith.constant 0 : index
    %swap3A_23 = vector.load %arg5[%swap3A, %swap3A_22] : memref<4096x5xf32, #tpu.memory_space<vmem>>, vector<4096x5xf32>
    tpu.vector_store %arg5[%swap3A, %swap3A_22], %add3A_21 {strides = array<i32>} : memref<4096x5xf32, #tpu.memory_space<vmem>>, vector<4096x5xf32>,
    return
  }
}

</mosaic_0001>

<sc_bundles>
// kernel: kernel.4.cloned.1.call-start
scs
__scs_entry_jumppad:
0x0: {  	(pc) =	sbr.rel $0x88, $3  }
0x1: {  	(tag) =	ssettag $0x0;
	lr =	simm.s32 $0x1  }
0x2: {  	[smem:$0x3F9B] =	sst lr;
	_ =	strace $0xD0000000  }
0x3: {  	_ = 	snop  }
0x4: {  	_ = 	snop  }
0x5: {  	_ = 	snop  }
0x6: {  	_ = 	snop  }
0x7: {  	_ = 	snop  }
__scs_overlays_trampoline_lowered:
0x8: {  	[smem:$0x3FAA] =	sst s0  }
0x9: {  	[smem:$0x3FAB] =	sst s1  }
0xa: {  	[smem:$0x3FAC] =	sst s2  }
0xb: {  	[smem:$0x3FAD] =	sst s3  }
0xc: {  	[smem:$0x3FAE] =	sst s4  }
0xd: {  	[smem:$0x3FAF] =	sst s5  }
0xe: {  	[smem:$0x3FB0] =	sst s6  }
0xf: {  	[smem:$0x3FB1] =	sst s7  }
0x10: {  	[smem:$0x3FB2] =	sst s8  }
0x11: {  	[smem:$0x3FB3] =	sst s9;
	s0 =	simm.s32 @!p0 $0x0  }
0x12: {  	s1 =	sld [smem:$0x3F99];
	s0 =	simm.s32 @p0 $0x1  }
0x13: {  	[smem:$0x3FB4] =	sst s0;
	s0 =	simm.s32 @!p1 $0x0  }
0x14: {  	s2 =	sld [smem:$0x3F98];
	s0 =	simm.s32 @p1 $0x1  }
0x15: {  	[smem:$0x3FB5] =	sst s0;
	s0 =	simm.s32 @!p2 $0x0  }
0x16: {  	s3 =	sld [smem:$0x3FDB];
	s0 =	simm.s32 @p2 $0x1  }
0x17: {  	s4 =	simm.s32 $0x1BF5;
	[smem:$0x3FB7] =	sst s0  }
0x18: {  	s0 =	sld [smem:$0x3F9A];
	_ =	swait.ge [sflag:s4], $0x0  }
0x19: {  	s7 =	sld [smem:$0x3F9B]  }
0x1a: {  	s8 =	sadd.s32 $0xFFFFE003, lr  }
0x1b: {  	s9 =	sadd.s32 $0xFFFFFEF7, lr;
	s5 =	simm.s32 $0xFFFFFFFF;
	p2 =	slt.u32 s8, $0xFFFFF086  }
0x1c: {  	p1 =	slt.u32 s9, $0xF7A;
	s5 =	simm.s32 @!p2 $0x0  }
0x1d: {  	s5 =	simm.s32 @p1 $0x1;
	p0 =	seq.s32 s7, s2  }
0x1e: {  	s7 =	smul.u32 @!p0 $0xF7A, s2;
	p2 =	seq.s32 @!p0 s5, $0x0  }
0x1f: {  	s9 =	smul.u32 $0xF7A, s1;
	s8 =	simm.s32 @!p0 $0x1BF5;
	p2 =	por !p2, p0  }
0x20: {  	[sflag:s8] =	ssyncset.s32 @!p0 $0xFFFFF086;
	s6 =	sadd.s32 @!p0 s3, s7;
	s7 =	simm.s32 @!p0 $0x108  }
0x21: {  	s3 =	sadd.s32 s3, s9;
	s6 =	sadd.s32 @!p0 $0x88, s6;
	s7 =	simm.s32 @p2 $0x1082  }
0x22: {  	[simem:s7], [sflag:s8] =	dma.local @!p0 [hbm:s6], $0xF7A  }
0x23: {  	s9 =	sor.u32 $0xD0000000, s2;
	s6 =	simm.s32 $0x108;
	_ =	swait.ge @!p0 [sflag:s8], $0x0  }
0x24: {  	s3 =	sadd.s32 $0x88, s3;
	s6 =	simm.s32 @!p1 $0x1082;
	[sflag:s4] =	ssyncset.s32 $0xFFFFF086  }
0x25: {  	[simem:s6], [sflag:s4] =	dma.local [hbm:s3], $0xF7A  }
0x26: {  	[smem:$0x3F9B] =	sst s1;
	(tag) =	ssettag s2;
	_ =	strace s9  }
0x27: {  	s1 =	sld [smem:$0x3FAB]  }
0x28: {  	s2 =	sld [smem:$0x3FAC]  }
0x29: {  	s4 =	sld [smem:$0x3FAE]  }
0x2a: {  	p0 =	seq.s32 s5, $0x0;
	s5 =	sld [smem:$0x3FAF]  }
0x2b: {  	s6 =	sld [smem:$0x3FB0]  }
0x2c: {  	s7 =	sld [smem:$0x3FB1]  }
0x2d: {  	s3 =	simm.s32 $0x108;
	s8 =	sld [smem:$0x3FB2]  }
0x2e: {  	s3 =	simm.s32 @!p0 $0x1082;
	s9 =	sld [smem:$0x3FB3]  }
0x2f: {  	lr =	sadd.s32 s0, s3;
	s0 =	sld [smem:$0x3FAA]  }
0x30: {  	s3 =	sld [smem:$0x3FAD]  }
0x31: {  	[smem:$0x3FB6] =	sst s10  }
0x32: {  	s10 =	sld [smem:$0x3FB4];
	_ =	sdelay $0x3  }
0x33: {  	p0 =	seq.s32 s10, $0x1;
	s10 =	sld [smem:$0x3FB6];
	_ =	sdelay $0x3  }
0x34: {  	[smem:$0x3FB6] =	sst s10  }
0x35: {  	s10 =	sld [smem:$0x3FB5];
	_ =	sdelay $0x3  }
0x36: {  	p1 =	seq.s32 s10, $0x1;
	s10 =	sld [smem:$0x3FB6];
	_ =	sdelay $0x3  }
0x37: {  	[smem:$0x3FB6] =	sst s10  }
0x38: {  	s10 =	sld [smem:$0x3FB7]  }
0x39: {  	_ = 	snop;
	(pc) =	sbr.ind lr, $3  }
0x3a: {  	_ = 	snop  }
0x3b: {  	_ = 	snop  }
0x3c: {  	p2 =	seq.s32 s10, $0x1;
	s10 =	sld [smem:$0x3FB6]  }
0x3d: {  	_ =	shalt  }
0x3e: {  	_ =	shalt  }
0x3f: {  	_ =	shalt  }
0x40: {  	_ =	shalt  }
0x41: {  	_ =	shalt  }
0x42: {  	_ =	shalt  }
0x43: {  	_ =	shalt  }
0x44: {  	_ =	shalt  }
0x45: {  	_ =	shalt  }
0x46: {  	_ =	shalt  }
0x47: {  	_ =	shalt  }
0x48: {  	_ =	shalt  }
0x49: {  	_ =	shalt  }
0x4a: {  	_ =	shalt  }
0x4b: {  	_ =	shalt  }
0x4c: {  	_ =	shalt  }
0x4d: {  	_ =	shalt  }
0x4e: {  	_ =	shalt  }
0x4f: {  	_ =	shalt  }
0x50: {  	_ =	shalt  }
0x51: {  	_ =	shalt  }
0x52: {  	_ =	shalt  }
0x53: {  	_ =	shalt  }
0x54: {  	_ =	shalt  }
0x55: {  	_ =	shalt  }
0x56: {  	_ =	shalt  }
0x57: {  	_ =	shalt  }
0x58: {  	_ =	shalt  }
0x59: {  	_ =	shalt  }
0x5a: {  	_ =	shalt  }
0x5b: {  	_ =	shalt  }
0x5c: {  	_ =	shalt  }
0x5d: {  	_ =	shalt  }
0x5e: {  	_ =	shalt  }
0x5f: {  	_ =	shalt  }
0x60: {  	_ =	shalt  }
0x61: {  	_ =	shalt  }
0x62: {  	_ =	shalt  }
0x63: {  	_ =	shalt  }
0x64: {  	_ =	shalt  }
0x65: {  	_ =	shalt  }
0x66: {  	_ =	shalt  }
0x67: {  	_ =	shalt  }
0x68: {  	_ =	shalt  }
0x69: {  	_ =	shalt  }
0x6a: {  	_ =	shalt  }
0x6b: {  	_ =	shalt  }
0x6c: {  	_ =	shalt  }
0x6d: {  	_ =	shalt  }
0x6e: {  	_ =	shalt  }
0x6f: {  	_ =	shalt  }
0x70: {  	_ =	shalt  }
0x71: {  	_ =	shalt  }
0x72: {  	_ =	shalt  }
0x73: {  	_ =	shalt  }
0x74: {  	_ =	shalt  }
0x75: {  	_ =	shalt  }
0x76: {  	_ =	shalt  }
0x77: {  	_ =	shalt  }
0x78: {  	_ =	shalt  }
0x79: {  	_ =	shalt  }
0x7a: {  	_ =	shalt  }
0x7b: {  	_ =	shalt  }
0x7c: {  	_ =	shalt  }
0x7d: {  	_ =	shalt  }
0x7e: {  	_ =	shalt  }
0x7f: {  	_ =	shalt  }
0x80: {  	_ =	shalt  }
0x81: {  	_ =	shalt  }
0x82: {  	_ =	shalt  }
0x83: {  	_ =	shalt  }
0x84: {  	_ =	shalt  }
0x85: {  	_ =	shalt  }
0x86: {  	_ =	shalt  }
0x87: {  	_ =	shalt  }
.Lfunc_end0:
.L_simem_size_0:
called_computation_lowered:
.L_overlay_start_0:
0x88: {  	s2 =	sld [smem:$0x3FD9]  }
0x89: {  	s3 =	sld [smem:$0x3FFE];
	_ =	sdelay $0x1  }
0x8a: {  	s1 =	srdreg.scid  }
0x8b: {  	s0 =	sand.u32 $0x1, s1  }
0x8c: {  	s16 =	sshll.u32 s0, $0xA;
	s2 =	sadd.s32 s3, s2  }
0x8d: {  	s2 =	sadd.s32 s2, s16  }
0x8e: {  	[smem:$0x3FC2] =	sst s2  }
0x8f: {  	_ = 	snop  }
0x90: {  	(tm) =	ssettm $0x1  }
0x91: {  	s17 =	sld [smem:$0x3FFB];
	_ =	sdelay $0x3  }
0x92: {  	_ =	strace s17  }
0x93: {  	s2 =	sld [smem:$0x3FFC];
	_ =	sdelay $0x3  }
0x94: {  	_ =	strace s2  }
0x95: {  	s2 =	sld [smem:$0x3FFD];
	_ =	sdelay $0x3  }
0x96: {  	_ =	strace s2  }
0x97: {  	_ =	strace $0x8FFFFFFF  }
0x98: {  	s18 =	sld [smem:$0x3FDB];
	_ =	sdelay $0x1  }
0x99: {  	s19 =	simm.s32 $_scs_section_size  }
0x9a: {  	s4 =	simm.s32 $_size__tile_overlayer_lowered;
	s5 =	simm.s32 $_tile_overlayer_lowered  }
0x9b: {  	s22 =	simm.s32 $0x1BFF;
	s21 =	sshll.u32 s5, $0x1;
	s2 =	sadd.s32 s19, s18  }
0x9c: {  	s6 =	simm.s32 $0x0;
	s20 =	sshll.u32 s4, $0x1;
	s4 =	sadd.s32 s21, s2  }
0x9d: {  	[timem:s6], [sflag:s22] =	dma.local [hbm:s4], s20  }
0x9e: {  	_ =	swait.ge [sflag:s22], s20  }
0x9f: {  	s3 =	ssub.s32 $0x0, s20;
	[sflag:s22] =	ssyncset.done $0x0  }
0xa0: {  	[sflag:s22] =	ssyncadd.s32 s3;
	_ =	sdelay $0x1  }
0xa1: {  	s23 =	simm.s32 $0x1B8B  }
0xa2: {  	_ =	swait.ge [sflag:s23], $0x1  }
0xa3: {  	[sflag:s23] =	ssyncset.done $0x0  }
0xa4: {  	s25 =	simm.s32 $0x1B8E;
	s24 =	sld [smem:$0x3FFE];
	[sflag:s23] =	ssyncadd.s32 $0xFFFFFFFF  }
0xa5: {  	s26 =	simm.s32 $execute0_lowered;
	[smem:$0x3FD2] =	sst s25  }
0xa6: {  	s4 =	sshll.u32 s26, $0x1;
	_ =	strace $0x80000046;
	[dreg:$0x1] =	wrdreg $0xFFFFFFFF  }
0xa7: {  	s28 =	simm.s32 $_size_execute0_lowered;
	s2 =	sadd.s32 s2, s4;
	[dreg:$0x0] =	wrdreg $0x0  }
0xa8: {  	s4 =	sshll.u32 s28, $0x1;
	[dreg:$0x2] =	wrdreg s2  }
0xa9: {  	[dreg:$0x3] =	wrdreg s4  }
0xaa: {  	[dreg:$0x4] =	wrdreg $0xC0  }
0xab: {  	_ =	task [dreg:s6], $0x5FFFF  }
0xac: {  	[dreg:$0x1] =	wrdreg $0xFFFFFFFF  }
0xad: {  	[dreg:$0x0] =	wrdreg $0x60  }
0xae: {  	[dreg:$0x2] =	wrdreg s24  }
0xaf: {  	[dreg:$0x3] =	wrdreg $0x9  }
0xb0: {  	_ =	task.clear_ibuf [dreg:s6], $0x4FFFF;
	_ =	strace $0x90000046  }
0xb1: {  	s29 =	simm.s32 $0x9;
	_ =	strace $0x80000048  }
0xb2: {  	_ =	swait.ge [sflag:s29], $0x1  }
0xb3: {  	[sflag:s29] =	ssyncadd.s32 $0xFFFFFFFF  }
0xb4: {  	_ =	strace $0x90000048  }
0xb5: {  	_ =	sfence  }
0xb6: {  	s30 =	sld [smem:$0x0];
	_ =	sdelay $0x2  }
0xb7: {  	s31 =	sshll.u32 s1, $0xD;
	s1 =	sshrl.u32 s1, $0x2  }
0xb8: {  	s3 =	sand.u32 $0x4000, s31;
	s1 =	sadd.s32 s1, s30  }
0xb9: {  	s0 =	sor.u32 s3, s0;
	s1 =	sshll.u32 s1, $0x11  }
0xba: {  	s0 =	sor.u32 s1, s0  }
0xbb: {  	s0 =	sadd.s32 $0x8F2B, s0  }
0xbc: {  	[sflag:s0] =	ssyncadd.remote.s32 $0x1  }
0xbd: {  	_ =	sfence.sel $0xFFFF  }
0xbe: {  	[dreg:$0x0] =	wrdreg $0xFFFFFFFF;
	(pc) =	sbr.abs _section_cstart, $3  }
0xbf: {  	[dreg:$0x1] =	wrdreg $0xFFFFFFFF  }
0xc0: {  	_ =	task.clear_ibuf [dreg:s6], $0x2FFFF;
	_ =	strace $0x9FFFFFFF  }
0xc1: {  	(tm) =	ssettm $0x7FFFFFFF  }
tec
execute0_lowered:
.L_overlay_start_1:
0x0: {  	(tag) =	ssettag $0x1  }
0x1: {  	s0 =	srdreg.scid  }
0x2: {  	s1 =	stileid.u32;
	s5 =	rddreg [dreg:$0x0]  }
0x3: {  	s2 =	simm.s32 $0x0;
	s10 =	simm.s32 $0xB680;
	s11 =	simm.s32 $0x7280  }
0x4: {  	s12 =	simm.s32 $0x7E80;
	s13 =	simm.s32 $0x8A80;
	s14 =	simm.s32 $0x9680  }
0x5: {  	s15 =	simm.s32 $0xA280;
	s16 =	simm.s32 $0xAE80;
	s17 =	simm.s32 $0xBA80  }
0x6: {  	s18 =	simm.s32 $0x7680;
	s19 =	simm.s32 $0x8280;
	s20 =	simm.s32 $0x8E80  }
0x7: {  	s21 =	simm.s32 $0x9A80;
	s22 =	simm.s32 $0xA680;
	s23 =	simm.s32 $0xB280  }
0x8: {  	s24 =	simm.s32 $0xBE80;
	s0 =	sand.u32 $0x1, s0;
	s1 =	sshll.u32 s1, $0x1  }
0x9: {  	s25 =	simm.s32 $0x1;
	s26 =	simm.s32 $0x2;
	s1 =	sor.u32 s0, s1  }
0xa: {  	[smem:$0x7FF] =	sst s2;
	s0 =	ssub.s32 $0x2, s0;
	s3 =	smul.u32 $0x320, s1  }
0xb: {  	s4 =	sadd.s32 $0x621C00, s5;
	s1 =	smul.u32 $0x1800, s1;
	s7 =	sshrl.u32 s0, $0x1  }
.Ltmp0:
0xc: {  	_ =	strace $0x80000047;
	s0 =	ssub.s32 s0, s7;
	(pc) =	sbr.rel .LBB2_1-.Ltmp0, $4  }
0xd: {  	s6 =	sadd.s32 s3, s5;
	s3 =	sadd.s32 $0x1000, s5;
	s0 =	smax.u32 s0, $0x1  }
0xe: {  	v2 =	vlaneseq.u32;
	vm0 =	vmmov $0xff;
	s1 =	sadd.s32 s1, s5;
	s6 =	sadd.s32 $0x61B800, s6;
	[dreg:$0x4] =	wrdreg s0  }
0xf: {  	vm1 =	vmmov $0x3;
	v3 =	vimm.f32 $0.0e+00;
	v1 =	vshrl.u32 v2, $0x3;
	s1 =	sadd.s32 $0x494E00, s1;
	[dreg:$0x2] =	wrdreg s6;
	s6 =	sadd.s32 $0x1080, s5  }
0x10: {  	v0 =	vand.u32 $0x7, v2;
	v2 =	vor.u32 $0x8, v2;
	v1 =	vmul.u32 $0x8, v1;
	[dreg:$0x3] =	wrdreg s1;
	s1 =	simm.s32 $0x3;
	s5 =	simm.s32 $0x0  }
.LBB2_10:
0x11: {  	s0 =	rddreg [dreg:$0x3];
	s1 =	simm.s32 $0xC280  }
0x12: {  	[hbm4b:s0+s2] =	stream.linear.scatter [tilespmem:s1], [sflag:$0x3], $0xC000, $0x38;
	[tilespmem:$0x18280] =	vst v63  }
0x13: {  	s1 =	simm.s32 $0x3  }
0x14: {  	_ =	swait.ge [sflag:s1], $0xC000  }
0x15: {  	s5 =	rddreg [dreg:$0x5]  }
0x16: {  	s31 =	rddreg [dreg:$0x4];
	s5 =	sadd.s32 $0x1, s5  }
0x17: {  	p0 =	sne.s32 s5, s31  }
.Ltmp1:
0x18: {  	_ = 	snop;
	(pc) =	sbr.rel @!p0 .LBB2_11-.Ltmp1, $3  }
0x19: {  	_ =	sdelay $0x1  }
0x1a: {  	[sflag:s1] =	ssyncset.done $0x0  }
0x1b: {  	[sflag:s1] =	ssyncadd.s32 $0xFFFF4000  }
.LBB2_1:
0x1c: {  	[dreg:$0x5] =	wrdreg s5  }
0x1d: {  	s0 =	rddreg [dreg:$0x2]  }
0x1e: {  	[tilespmem:s2], [sflag:$0x3] =	stream.linear.gather [hbm4b:s0+s2], $0x1900, $0x38;
	[tilespmem:$0x18280] =	vst v63  }
0x1f: {  	_ =	swait.ge [sflag:s1], $0x1900  }
0x20: {  	[sflag:s1] =	ssyncset.done $0x0  }
0x21: {  	[sflag:s1] =	ssyncadd.s32 $0xFFFFE700  }
0x22: {  	v4 =	vld [tilespmem:$0x0];
	_ =	sdelay $0x4  }
0x23: {  	v5 =	vshrl.u32 v4, $0x3  }
0x24: {  	v5 =	vmul.u32 $0x18, v5  }
0x25: {  	v6 =	vand.u32 $0x7, v4  }
0x26: {  	v7 =	vld [tilespmem:$0x10];
	v5 =	vor.u32 v6, v5  }
0x27: {  	v58 =	vld [tilespmem:$0x20];
	v8 =	vperm.xlane v5, v0  }
0x28: {  	v9 =	vld [tilespmem:$0x22]  }
0x29: {  	v5 =	vperm.xlane v5, v2;
	v8 =	vadd.s32 v1, v8  }
0x2a: {  	[tilespmem:$0x1980] =	vst v4  }
0x2b: {  	[tilespmem:$0x1990] =	vst v7;
	v4 =	vadd.s32 v1, v5  }
0x2c: {  	[tilespmem:$0x19A0] =	vst v58  }
0x2d: {  	s29 =	simm.s32 $0x1A80;
	[tilespmem:$0x19A2] =	vst v9  }
0x2e: {  	[tilespmem:s29], [sflag:$0x1] =	stream.indirect_vreg.gather [hbm4b:s3+s2], $0x80, v8, vm0, $0xb8;
	[tilespmem:$0x18280] =	vst v63  }
0x2f: {  	s30 =	simm.s32 $0x2680  }
0x30: {  	[tilespmem:s30], [sflag:$0x1] =	stream.indirect_vreg.gather [hbm4b:s3+s2], $0x80, v4, vm0, $0xb8;
	[tilespmem:$0x18280] =	vst v63  }
0x31: {  	v4 =	vld [tilespmem:$0x1990];
	_ =	sdelay $0x4  }
0x32: {  	v5 =	vshrl.u32 v4, $0x3  }
0x33: {  	v5 =	vmul.u32 $0x18, v5  }
0x34: {  	v4 =	vand.u32 $0x7, v4  }
0x35: {  	v4 =	vor.u32 v4, v5  }
0x36: {  	v5 =	vperm.xlane v4, v0;
	_ =	sdelay $0x1  }
0x37: {  	v4 =	vperm.xlane v4, v2;
	v5 =	vadd.s32 v1, v5;
	_ =	sdelay $0x1  }
0x38: {  	v4 =	vadd.s32 v1, v4;
	_ =	sdelay $0x1  }
0x39: {  	s31 =	simm.s32 $0x3280  }
0x3a: {  	[tilespmem:s31], [sflag:$0x1] =	stream.indirect_vreg.gather [hbm4b:s3+s2], $0x80, v5, vm0, $0xb8;
	[tilespmem:$0x18280] =	vst v63  }
0x3b: {  	s1 =	simm.s32 $0x3E80  }
0x3c: {  	[tilespmem:s1], [sflag:$0x1] =	stream.indirect_vreg.gather [hbm4b:s3+s2], $0x80, v4, vm0, $0xb8;
	[tilespmem:$0x18280] =	vst v63  }
0x3d: {  	v4 =	vld [tilespmem:$0x19A0];
	_ =	sdelay $0x4  }
0x3e: {  	v5 =	vshrl.u32 v4, $0x3  }
0x3f: {  	v5 =	vmul.u32 $0x18, v5  }
0x40: {  	v4 =	vand.u32 $0x7, v4  }
0x41: {  	v4 =	vor.u32 v4, v5  }
0x42: {  	v5 =	vperm.xlane v4, v0;
	_ =	sdelay $0x1  }
0x43: {  	v4 =	vperm.xlane v4, v2;
	v5 =	vadd.s32 v1, v5;
	_ =	sdelay $0x1  }
0x44: {  	v4 =	vadd.s32 v1, v4;
	_ =	sdelay $0x1  }
0x45: {  	s5 =	simm.s32 $0x4A80  }
0x46: {  	[tilespmem:s5], [sflag:$0x1] =	stream.indirect_vreg.gather [hbm4b:s3+s2], $0x80, v5, vm0, $0xb8;
	[tilespmem:$0x18280] =	vst v63  }
0x47: {  	s7 =	simm.s32 $0x5680  }
0x48: {  	[tilespmem:s7], [sflag:$0x1] =	stream.indirect_vreg.gather [hbm4b:s3+s2], $0x80, v4, vm0, $0xb8;
	[tilespmem:$0x18280] =	vst v63  }
0x49: {  	v4 =	vld.msk [tilespmem:$0x19B0], $0x3;
	_ =	sdelay $0x4  }
0x4a: {  	v5 =	vshrl.u32 v4, $0x3  }
0x4b: {  	v5 =	vmul.u32 $0x18, v5  }
0x4c: {  	v4 =	vand.u32 $0x7, v4  }
0x4d: {  	v4 =	vor.u32 v4, v5  }
0x4e: {  	v4 =	vperm.xlane v4, v0;
	_ =	sdelay $0x1  }
0x4f: {  	v4 =	vadd.s32 v1, v4;
	_ =	sdelay $0x3  }
0x50: {  	s8 =	simm.s32 $0x6280  }
0x51: {  	[tilespmem:s8], [sflag:$0x1] =	stream.indirect_vreg.gather [hbm4b:s3+s2], $0x80, v4, vm1, $0xb8;
	[tilespmem:$0x18280] =	vst v63  }
0x52: {  	v4 =	vld [tilespmem:$0x1980];
	_ =	sdelay $0x4  }
0x53: {  	v5 =	vshrl.u32 v4, $0x3  }
0x54: {  	v5 =	vmul.u32 $0x18, v5  }
0x55: {  	v4 =	vand.u32 $0x7, v4  }
0x56: {  	v4 =	vor.u32 v4, v5  }
0x57: {  	v5 =	vperm.xlane v4, v0;
	_ =	sdelay $0x1  }
0x58: {  	v4 =	vperm.xlane v4, v2;
	v5 =	vadd.s32 v1, v5;
	_ =	sdelay $0x1  }
0x59: {  	v4 =	vadd.s32 v1, v4;
	_ =	sdelay $0x1  }
0x5a: {  	s9 =	simm.s32 $0x1E80  }
0x5b: {  	[tilespmem:s9], [sflag:$0x1] =	stream.indirect_vreg.gather [hbm4b:s6+s2], $0x80, v5, vm0, $0xb8;
	[tilespmem:$0x18280] =	vst v63  }
0x5c: {  	s29 =	simm.s32 $0x2A80  }
0x5d: {  	[tilespmem:s29], [sflag:$0x1] =	stream.indirect_vreg.gather [hbm4b:s6+s2], $0x80, v4, vm0, $0xb8;
	[tilespmem:$0x18280] =	vst v63  }
0x5e: {  	v4 =	vld [tilespmem:$0x1990];
	_ =	sdelay $0x4  }
0x5f: {  	v5 =	vshrl.u32 v4, $0x3  }
0x60: {  	v5 =	vmul.u32 $0x18, v5  }
0x61: {  	v4 =	vand.u32 $0x7, v4  }
0x62: {  	v4 =	vor.u32 v4, v5  }
0x63: {  	v5 =	vperm.xlane v4, v0;
	_ =	sdelay $0x1  }
0x64: {  	v4 =	vperm.xlane v4, v2;
	v5 =	vadd.s32 v1, v5;
	_ =	sdelay $0x1  }
0x65: {  	v4 =	vadd.s32 v1, v4;
	_ =	sdelay $0x1  }
0x66: {  	s30 =	simm.s32 $0x3680  }
0x67: {  	[tilespmem:s30], [sflag:$0x1] =	stream.indirect_vreg.gather [hbm4b:s6+s2], $0x80, v5, vm0, $0xb8;
	[tilespmem:$0x18280] =	vst v63  }
0x68: {  	s31 =	simm.s32 $0x4280  }
0x69: {  	[tilespmem:s31], [sflag:$0x1] =	stream.indirect_vreg.gather [hbm4b:s6+s2], $0x80, v4, vm0, $0xb8;
	[tilespmem:$0x18280] =	vst v63  }
0x6a: {  	v4 =	vld [tilespmem:$0x19A0];
	_ =	sdelay $0x4  }
0x6b: {  	v5 =	vshrl.u32 v4, $0x3  }
0x6c: {  	v5 =	vmul.u32 $0x18, v5  }
0x6d: {  	v4 =	vand.u32 $0x7, v4  }
0x6e: {  	v4 =	vor.u32 v4, v5  }
0x6f: {  	v5 =	vperm.xlane v4, v0;
	_ =	sdelay $0x1  }
0x70: {  	v4 =	vperm.xlane v4, v2;
	v5 =	vadd.s32 v1, v5;
	_ =	sdelay $0x1  }
0x71: {  	v4 =	vadd.s32 v1, v4;
	_ =	sdelay $0x1  }
0x72: {  	s1 =	simm.s32 $0x4E80  }
0x73: {  	[tilespmem:s1], [sflag:$0x1] =	stream.indirect_vreg.gather [hbm4b:s6+s2], $0x80, v5, vm0, $0xb8;
	[tilespmem:$0x18280] =	vst v63  }
0x74: {  	s5 =	simm.s32 $0x5A80  }
0x75: {  	[tilespmem:s5], [sflag:$0x1] =	stream.indirect_vreg.gather [hbm4b:s6+s2], $0x80, v4, vm0, $0xb8;
	[tilespmem:$0x18280] =	vst v63  }
0x76: {  	v4 =	vld.msk [tilespmem:$0x19B0], $0x3;
	_ =	sdelay $0x4  }
0x77: {  	v5 =	vshrl.u32 v4, $0x3  }
0x78: {  	v5 =	vmul.u32 $0x18, v5  }
0x79: {  	v4 =	vand.u32 $0x7, v4  }
0x7a: {  	v4 =	vor.u32 v4, v5  }
0x7b: {  	v4 =	vperm.xlane v4, v0;
	_ =	sdelay $0x1  }
0x7c: {  	v4 =	vadd.s32 v1, v4;
	_ =	sdelay $0x3  }
0x7d: {  	s7 =	simm.s32 $0x6680  }
0x7e: {  	[tilespmem:s7], [sflag:$0x1] =	stream.indirect_vreg.gather [hbm4b:s6+s2], $0x80, v4, vm1, $0xb8;
	[tilespmem:$0x18280] =	vst v63  }
0x7f: {  	v4 =	vld [tilespmem:$0x1980];
	_ =	sdelay $0x4  }
0x80: {  	v5 =	vperm.xlane v4, v0;
	_ =	sdelay $0x1  }
0x81: {  	v4 =	vperm.xlane v4, v2;
	v5 =	vadd.s32 v1, v5;
	_ =	sdelay $0x1  }
0x82: {  	v4 =	vadd.s32 v1, v4;
	_ =	sdelay $0x1  }
0x83: {  	s8 =	simm.s32 $0x2280  }
0x84: {  	[tilespmem:s8], [sflag:$0x1] =	stream.indirect_vreg.gather [hbm4b:s4+s2], $0x80, v5, vm0, $0xb8;
	[tilespmem:$0x18280] =	vst v63  }
0x85: {  	s9 =	simm.s32 $0x2E80  }
0x86: {  	[tilespmem:s9], [sflag:$0x1] =	stream.indirect_vreg.gather [hbm4b:s4+s2], $0x80, v4, vm0, $0xb8;
	[tilespmem:$0x18280] =	vst v63  }
0x87: {  	v4 =	vld [tilespmem:$0x1990];
	_ =	sdelay $0x4  }
0x88: {  	v5 =	vperm.xlane v4, v0;
	_ =	sdelay $0x1  }
0x89: {  	v4 =	vperm.xlane v4, v2;
	v5 =	vadd.s32 v1, v5;
	_ =	sdelay $0x1  }
0x8a: {  	v4 =	vadd.s32 v1, v4;
	_ =	sdelay $0x1  }
0x8b: {  	s29 =	simm.s32 $0x3A80  }
0x8c: {  	[tilespmem:s29], [sflag:$0x1] =	stream.indirect_vreg.gather [hbm4b:s4+s2], $0x80, v5, vm0, $0xb8;
	[tilespmem:$0x18280] =	vst v63  }
0x8d: {  	s30 =	simm.s32 $0x4680  }
0x8e: {  	[tilespmem:s30], [sflag:$0x1] =	stream.indirect_vreg.gather [hbm4b:s4+s2], $0x80, v4, vm0, $0xb8;
	[tilespmem:$0x18280] =	vst v63  }
0x8f: {  	v4 =	vld [tilespmem:$0x19A0];
	_ =	sdelay $0x4  }
0x90: {  	v5 =	vperm.xlane v4, v0;
	_ =	sdelay $0x1  }
0x91: {  	v4 =	vperm.xlane v4, v2;
	v5 =	vadd.s32 v1, v5;
	_ =	sdelay $0x1  }
0x92: {  	v4 =	vadd.s32 v1, v4;
	_ =	sdelay $0x1  }
0x93: {  	s31 =	simm.s32 $0x5280  }
0x94: {  	[tilespmem:s31], [sflag:$0x1] =	stream.indirect_vreg.gather [hbm4b:s4+s2], $0x80, v5, vm0, $0xb8;
	[tilespmem:$0x18280] =	vst v63  }
0x95: {  	s1 =	simm.s32 $0x5E80  }
0x96: {  	[tilespmem:s1], [sflag:$0x1] =	stream.indirect_vreg.gather [hbm4b:s4+s2], $0x80, v4, vm0, $0xb8;
	[tilespmem:$0x18280] =	vst v63  }
0x97: {  	v4 =	vld.msk [tilespmem:$0x19B0], $0x3;
	_ =	sdelay $0x4  }
0x98: {  	v4 =	vperm.xlane v4, v0;
	_ =	sdelay $0x1  }
0x99: {  	v4 =	vadd.s32 v1, v4;
	_ =	sdelay $0x3  }
0x9a: {  	s5 =	simm.s32 $0x6A80  }
0x9b: {  	[tilespmem:s5], [sflag:$0x1] =	stream.indirect_vreg.gather [hbm4b:s4+s2], $0x80, v4, vm1, $0xb8;
	[tilespmem:$0x18280] =	vst v63  }
0x9c: {  	v4 =	vld [tilespmem:$0x32];
	_ =	sdelay $0x4  }
0x9d: {  	v5 =	vshrl.u32 v4, $0x3  }
0x9e: {  	v5 =	vmul.u32 $0x18, v5  }
0x9f: {  	v59 =	vand.u32 $0x7, v4  }
0xa0: {  	v60 =	vld [tilespmem:$0x42];
	v5 =	vor.u32 v59, v5  }
0xa1: {  	v61 =	vld [tilespmem:$0x52];
	v62 =	vperm.xlane v5, v0  }
0xa2: {  	v63 =	vld [tilespmem:$0x54]  }
0xa3: {  	v5 =	vperm.xlane v5, v2;
	v8 =	vadd.s32 v1, v62  }
0xa4: {  	[tilespmem:$0x1A00] =	vst v4  }
0xa5: {  	[tilespmem:$0x1A10] =	vst v60;
	v4 =	vadd.s32 v1, v5  }
0xa6: {  	[tilespmem:$0x1A20] =	vst v61  }
0xa7: {  	s7 =	simm.s32 $0x6E80;
	[tilespmem:$0x1A22] =	vst v63  }
0xa8: {  	[tilespmem:s7], [sflag:$0x2] =	stream.indirect_vreg.gather [hbm4b:s3+s2], $0x80, v8, vm0, $0xb8;
	[tilespmem:$0x18280] =	vst v63  }
0xa9: {  	s8 =	simm.s32 $0x7A80  }
0xaa: {  	[tilespmem:s8], [sflag:$0x2] =	stream.indirect_vreg.gather [hbm4b:s3+s2], $0x80, v4, vm0, $0xb8;
	[tilespmem:$0x18280] =	vst v63  }
0xab: {  	v4 =	vld [tilespmem:$0x1A10];
	_ =	sdelay $0x4  }
0xac: {  	v5 =	vshrl.u32 v4, $0x3  }
0xad: {  	v5 =	vmul.u32 $0x18, v5  }
0xae: {  	v4 =	vand.u32 $0x7, v4  }
0xaf: {  	v4 =	vor.u32 v4, v5  }
0xb0: {  	v5 =	vperm.xlane v4, v0;
	_ =	sdelay $0x1  }
0xb1: {  	v4 =	vperm.xlane v4, v2;
	v5 =	vadd.s32 v1, v5;
	_ =	sdelay $0x1  }
0xb2: {  	v4 =	vadd.s32 v1, v4;
	_ =	sdelay $0x1  }
0xb3: {  	s9 =	simm.s32 $0x8680  }
0xb4: {  	[tilespmem:s9], [sflag:$0x2] =	stream.indirect_vreg.gather [hbm4b:s3+s2], $0x80, v5, vm0, $0xb8;
	[tilespmem:$0x18280] =	vst v63  }
0xb5: {  	s29 =	simm.s32 $0x9280  }
0xb6: {  	[tilespmem:s29], [sflag:$0x2] =	stream.indirect_vreg.gather [hbm4b:s3+s2], $0x80, v4, vm0, $0xb8;
	[tilespmem:$0x18280] =	vst v63  }
0xb7: {  	v4 =	vld [tilespmem:$0x1A20];
	_ =	sdelay $0x4  }
0xb8: {  	v5 =	vshrl.u32 v4, $0x3  }
0xb9: {  	v5 =	vmul.u32 $0x18, v5  }
0xba: {  	v4 =	vand.u32 $0x7, v4  }
0xbb: {  	v4 =	vor.u32 v4, v5  }
0xbc: {  	v5 =	vperm.xlane v4, v0;
	_ =	sdelay $0x1  }
0xbd: {  	v4 =	vperm.xlane v4, v2;
	v5 =	vadd.s32 v1, v5;
	_ =	sdelay $0x1  }
0xbe: {  	v4 =	vadd.s32 v1, v4;
	_ =	sdelay $0x1  }
0xbf: {  	s30 =	simm.s32 $0x9E80  }
0xc0: {  	[tilespmem:s30], [sflag:$0x2] =	stream.indirect_vreg.gather [hbm4b:s3+s2], $0x80, v5, vm0, $0xb8;
	[tilespmem:$0x18280] =	vst v63  }
0xc1: {  	s31 =	simm.s32 $0xAA80  }
0xc2: {  	[tilespmem:s31], [sflag:$0x2] =	stream.indirect_vreg.gather [hbm4b:s3+s2], $0x80, v4, vm0, $0xb8;
	[tilespmem:$0x18280] =	vst v63  }
0xc3: {  	v4 =	vld.msk [tilespmem:$0x1A30], $0x3;
	_ =	sdelay $0x4  }
0xc4: {  	v5 =	vshrl.u32 v4, $0x3  }
0xc5: {  	v5 =	vmul.u32 $0x18, v5  }
0xc6: {  	v4 =	vand.u32 $0x7, v4  }
0xc7: {  	v4 =	vor.u32 v4, v5  }
0xc8: {  	v4 =	vperm.xlane v4, v0;
	_ =	sdelay $0x1  }
0xc9: {  	v4 =	vadd.s32 v1, v4;
	_ =	sdelay $0x4  }
0xca: {  	[tilespmem:s10], [sflag:$0x2] =	stream.indirect_vreg.gather [hbm4b:s3+s2], $0x80, v4, vm1, $0xb8;
	[tilespmem:$0x18280] =	vst v63  }
0xcb: {  	v4 =	vld [tilespmem:$0x1A00];
	_ =	sdelay $0x4  }
0xcc: {  	v5 =	vshrl.u32 v4, $0x3  }
0xcd: {  	v5 =	vmul.u32 $0x18, v5  }
0xce: {  	v4 =	vand.u32 $0x7, v4  }
0xcf: {  	v4 =	vor.u32 v4, v5  }
0xd0: {  	v5 =	vperm.xlane v4, v0;
	_ =	sdelay $0x1  }
0xd1: {  	v4 =	vperm.xlane v4, v2;
	v5 =	vadd.s32 v1, v5;
	_ =	sdelay $0x1  }
0xd2: {  	v4 =	vadd.s32 v1, v4;
	_ =	sdelay $0x2  }
0xd3: {  	[tilespmem:s11], [sflag:$0x2] =	stream.indirect_vreg.gather [hbm4b:s6+s2], $0x80, v5, vm0, $0xb8;
	[tilespmem:$0x18280] =	vst v63  }
0xd4: {  	_ = 	snop  }
0xd5: {  	[tilespmem:s12], [sflag:$0x2] =	stream.indirect_vreg.gather [hbm4b:s6+s2], $0x80, v4, vm0, $0xb8;
	[tilespmem:$0x18280] =	vst v63  }
0xd6: {  	v4 =	vld [tilespmem:$0x1A10];
	_ =	sdelay $0x4  }
0xd7: {  	v5 =	vshrl.u32 v4, $0x3  }
0xd8: {  	v5 =	vmul.u32 $0x18, v5  }
0xd9: {  	v4 =	vand.u32 $0x7, v4  }
0xda: {  	v4 =	vor.u32 v4, v5  }
0xdb: {  	v5 =	vperm.xlane v4, v0;
	_ =	sdelay $0x1  }
0xdc: {  	v4 =	vperm.xlane v4, v2;
	v5 =	vadd.s32 v1, v5;
	_ =	sdelay $0x1  }
0xdd: {  	v4 =	vadd.s32 v1, v4;
	_ =	sdelay $0x2  }
0xde: {  	[tilespmem:s13], [sflag:$0x2] =	stream.indirect_vreg.gather [hbm4b:s6+s2], $0x80, v5, vm0, $0xb8;
	[tilespmem:$0x18280] =	vst v63  }
0xdf: {  	_ = 	snop  }
0xe0: {  	[tilespmem:s14], [sflag:$0x2] =	stream.indirect_vreg.gather [hbm4b:s6+s2], $0x80, v4, vm0, $0xb8;
	[tilespmem:$0x18280] =	vst v63  }
0xe1: {  	v4 =	vld [tilespmem:$0x1A20];
	_ =	sdelay $0x4  }
0xe2: {  	v5 =	vshrl.u32 v4, $0x3  }
0xe3: {  	v5 =	vmul.u32 $0x18, v5  }
0xe4: {  	v4 =	vand.u32 $0x7, v4  }
0xe5: {  	v4 =	vor.u32 v4, v5  }
0xe6: {  	v5 =	vperm.xlane v4, v0;
	_ =	sdelay $0x1  }
0xe7: {  	v4 =	vperm.xlane v4, v2;
	v5 =	vadd.s32 v1, v5;
	_ =	sdelay $0x1  }
0xe8: {  	v4 =	vadd.s32 v1, v4;
	_ =	sdelay $0x2  }
0xe9: {  	[tilespmem:s15], [sflag:$0x2] =	stream.indirect_vreg.gather [hbm4b:s6+s2], $0x80, v5, vm0, $0xb8;
	[tilespmem:$0x18280] =	vst v63  }
0xea: {  	_ = 	snop  }
0xeb: {  	[tilespmem:s16], [sflag:$0x2] =	stream.indirect_vreg.gather [hbm4b:s6+s2], $0x80, v4, vm0, $0xb8;
	[tilespmem:$0x18280] =	vst v63  }
0xec: {  	v4 =	vld.msk [tilespmem:$0x1A30], $0x3;
	_ =	sdelay $0x4  }
0xed: {  	v5 =	vshrl.u32 v4, $0x3  }
0xee: {  	v5 =	vmul.u32 $0x18, v5  }
0xef: {  	v4 =	vand.u32 $0x7, v4  }
0xf0: {  	v4 =	vor.u32 v4, v5  }
0xf1: {  	v4 =	vperm.xlane v4, v0;
	_ =	sdelay $0x1  }
0xf2: {  	v4 =	vadd.s32 v1, v4;
	_ =	sdelay $0x4  }
0xf3: {  	[tilespmem:s17], [sflag:$0x2] =	stream.indirect_vreg.gather [hbm4b:s6+s2], $0x80, v4, vm1, $0xb8;
	[tilespmem:$0x18280] =	vst v63  }
0xf4: {  	v4 =	vld [tilespmem:$0x1A00];
	_ =	sdelay $0x4  }
0xf5: {  	v5 =	vperm.xlane v4, v0;
	_ =	sdelay $0x1  }
0xf6: {  	v4 =	vperm.xlane v4, v2;
	v5 =	vadd.s32 v1, v5;
	_ =	sdelay $0x1  }
0xf7: {  	v4 =	vadd.s32 v1, v4;
	_ =	sdelay $0x2  }
0xf8: {  	[tilespmem:s18], [sflag:$0x2] =	stream.indirect_vreg.gather [hbm4b:s4+s2], $0x80, v5, vm0, $0xb8;
	[tilespmem:$0x18280] =	vst v63  }
0xf9: {  	_ = 	snop  }
0xfa: {  	[tilespmem:s19], [sflag:$0x2] =	stream.indirect_vreg.gather [hbm4b:s4+s2], $0x80, v4, vm0, $0xb8;
	[tilespmem:$0x18280] =	vst v63  }
0xfb: {  	v4 =	vld [tilespmem:$0x1A10];
	_ =	sdelay $0x4  }
0xfc: {  	v5 =	vperm.xlane v4, v0;
	_ =	sdelay $0x1  }
0xfd: {  	v4 =	vperm.xlane v4, v2;
	v5 =	vadd.s32 v1, v5;
	_ =	sdelay $0x1  }
0xfe: {  	v4 =	vadd.s32 v1, v4;
	_ =	sdelay $0x2  }
0xff: {  	[tilespmem:s20], [sflag:$0x2] =	stream.indirect_vreg.gather [hbm4b:s4+s2], $0x80, v5, vm0, $0xb8;
	[tilespmem:$0x18280] =	vst v63  }
0x100: {  	_ = 	snop  }
0x101: {  	[tilespmem:s21], [sflag:$0x2] =	stream.indirect_vreg.gather [hbm4b:s4+s2], $0x80, v4, vm0, $0xb8;
	[tilespmem:$0x18280] =	vst v63  }
0x102: {  	v4 =	vld [tilespmem:$0x1A20];
	_ =	sdelay $0x4  }
0x103: {  	v5 =	vperm.xlane v4, v0;
	_ =	sdelay $0x1  }
0x104: {  	v4 =	vperm.xlane v4, v2;
	v5 =	vadd.s32 v1, v5;
	_ =	sdelay $0x1  }
0x105: {  	v4 =	vadd.s32 v1, v4;
	_ =	sdelay $0x2  }
0x106: {  	[tilespmem:s22], [sflag:$0x2] =	stream.indirect_vreg.gather [hbm4b:s4+s2], $0x80, v5, vm0, $0xb8;
	[tilespmem:$0x18280] =	vst v63  }
0x107: {  	_ = 	snop  }
0x108: {  	[tilespmem:s23], [sflag:$0x2] =	stream.indirect_vreg.gather [hbm4b:s4+s2], $0x80, v4, vm0, $0xb8;
	[tilespmem:$0x18280] =	vst v63  }
0x109: {  	v4 =	vld.msk [tilespmem:$0x1A30], $0x3;
	_ =	sdelay $0x4  }
0x10a: {  	v4 =	vperm.xlane v4, v0;
	_ =	sdelay $0x1  }
0x10b: {  	v4 =	vadd.s32 v1, v4;
	_ =	sdelay $0x3  }
0x10c: {  	s28 =	simm.s32 $0x0  }
0x10d: {  	[tilespmem:s24], [sflag:$0x2] =	stream.indirect_vreg.gather [hbm4b:s4+s2], $0x80, v4, vm1, $0xb8;
	[tilespmem:$0x18280] =	vst v63  }
.LBB2_2:
0x10e: {  	_ =	swait.ge [sflag:s25], $0x1900  }
0x10f: {  	[sflag:s25] =	ssyncset.done $0x0  }
0x110: {  	[sflag:s25] =	ssyncadd.s32 $0xFFFFE700  }
0x111: {  	_ =	swait.ge [sflag:s25], $0x1900  }
0x112: {  	s0 =	simm.s32 $0x0;
	[sflag:s25] =	ssyncset.done $0x0  }
0x113: {  	s0 =	smul.u32 $0x3000, s0;
	[sflag:s25] =	ssyncadd.s32 $0xFFFFE700  }
0x114: {  	s1 =	simm.s32 $0x0;
	_ =	swait.ge [sflag:s25], $0x1900  }
0x115: {  	s5 =	sand.u32 $0x380, s1;
	s0 =	sshra.s32 s0, $0x2;
	[sflag:s25] =	ssyncset.done $0x0  }
0x116: {  	s0 =	sor.u32 s5, s0;
	[sflag:s25] =	ssyncadd.s32 $0xFFFFE700  }
0x117: {  	v4 =	vld [tilespmem:s0+$0x22A0]  }
0x118: {  	v5 =	vld [tilespmem:s0+$0x1A80]  }
0x119: {  	v6 =	vld [tilespmem:s0+$0x1A90]  }
0x11a: {  	v7 =	vld [tilespmem:s0+$0x1AA0]  }
0x11b: {  	v8 =	vld [tilespmem:s0+$0x1AB0]  }
0x11c: {  	v10 =	vld [tilespmem:s0+$0x1AC0]  }
0x11d: {  	v11 =	vld [tilespmem:s0+$0x1AD0]  }
0x11e: {  	v12 =	vld [tilespmem:s0+$0x1AE0]  }
0x11f: {  	v9 =	vimm.f32 $0.0e+00;
	v13 =	vld [tilespmem:s0+$0x1AF0]  }
0x120: {  	v14 =	vld [tilespmem:s0+$0x1E80];
	v4 =	vadd.f32 v4, v9  }
0x121: {  	v22 =	vadd.f32 v5, v9;
	v21 =	vadd.f32 v6, v9  }
0x122: {  	v20 =	vadd.f32 v7, v9;
	v19 =	vadd.f32 v8, v9  }
0x123: {  	v27 =	vld [tilespmem:s0+$0x1E90];
	v18 =	vadd.f32 v10, v9;
	v17 =	vadd.f32 v11, v9  }
0x124: {  	v26 =	vld [tilespmem:s0+$0x1EA0];
	v16 =	vadd.f32 v12, v9;
	v15 =	vadd.f32 v13, v9  }
0x125: {  	v23 =	vld [tilespmem:s0+$0x1EB0];
	v13 =	vadd.f32 v14, v9;
	v14 =	vimm.f32 $0.0e+00;
	v12 =	vimm.f32 $0.0e+00  }
0x126: {  	v24 =	vld [tilespmem:s0+$0x1EC0];
	v11 =	vimm.f32 $0.0e+00;
	v10 =	vimm.f32 $0.0e+00;
	v7 =	vimm.f32 $0.0e+00  }
0x127: {  	s7 =	simm.s32 $0x0;
	s5 =	simm.s32 $0x2;
	v25 =	vld [tilespmem:s0+$0x1ED0];
	v8 =	vimm.f32 $0.0e+00;
	v6 =	vimm.f32 $0.0e+00;
	v5 =	vimm.f32 $0.0e+00  }
.LBB2_3:
0x128: {  	p0 =	sne.s32 s5, $0x31;
	s7 =	smul.u32 $0x3000, s7;
	v9 =	vadd.f32 v27, v9;
	v27 =	vld [tilespmem:s0+$0x1EE0]  }
0x129: {  	s1 =	sadd.s32 $0x80, s1;
	v14 =	vadd.f32 v26, v14;
	v26 =	vld [tilespmem:s0+$0x1EF0]  }
0x12a: {  	s8 =	sand.u32 $0x380, s1;
	s7 =	sshra.s32 s7, $0x2;
	v12 =	vadd.f32 v23, v12;
	v23 =	vld [tilespmem:s0+$0x2280]  }
0x12b: {  	v11 =	vadd.f32 v24, v11;
	v24 =	vld [tilespmem:s0+$0x2290];
	s0 =	sor.u32 s8, s7  }
0x12c: {  	v28 =	vld [tilespmem:s0+$0x22A0];
	v10 =	vadd.f32 v25, v10  }
0x12d: {  	v25 =	vld [tilespmem:s0+$0x1A80];
	v7 =	vadd.f32 v27, v7  }
0x12e: {  	v27 =	vld [tilespmem:s0+$0x1A90];
	v8 =	vadd.f32 v26, v8  }
0x12f: {  	v26 =	vld [tilespmem:s0+$0x1AA0];
	v6 =	vadd.f32 v23, v6  }
0x130: {  	v23 =	vld [tilespmem:s0+$0x1AB0];
	v5 =	vadd.f32 v24, v5  }
0x131: {  	v24 =	vld [tilespmem:s0+$0x1AC0];
	v4 =	vadd.f32 v28, v4  }
0x132: {  	v22 =	vadd.f32 v25, v22;
	v25 =	vld [tilespmem:s0+$0x1AD0]  }
0x133: {  	v21 =	vadd.f32 v27, v21;
	v28 =	vld [tilespmem:s0+$0x1AE0]  }
0x134: {  	v20 =	vadd.f32 v26, v20;
	v29 =	vld [tilespmem:s0+$0x1AF0]  }
0x135: {  	v19 =	vadd.f32 v23, v19;
	v30 =	vld [tilespmem:s0+$0x1E80]  }
.Ltmp2:
0x136: {  	v18 =	vadd.f32 v24, v18;
	v27 =	vld [tilespmem:s0+$0x1E90];
	(pc) =	sbr.rel @p0 .LBB2_3-.Ltmp2, $4  }
0x137: {  	v17 =	vadd.f32 v25, v17;
	v26 =	vld [tilespmem:s0+$0x1EA0]  }
0x138: {  	v16 =	vadd.f32 v28, v16;
	v23 =	vld [tilespmem:s0+$0x1EB0]  }
0x139: {  	v15 =	vadd.f32 v29, v15;
	v24 =	vld [tilespmem:s0+$0x1EC0]  }
0x13a: {  	s7 =	sshrl.u32 s5, $0x3;
	s5 =	sadd.s32 $0x1, s5;
	v13 =	vadd.f32 v30, v13;
	v25 =	vld [tilespmem:s0+$0x1ED0]  }
0x13b: {  	s5 =	smul.u32 $0x3000, s7;
	v28 =	vld [tilespmem:s0+$0x1EE0]  }
0x13c: {  	v29 =	vld [tilespmem:s0+$0x1EF0];
	s1 =	sadd.s32 $0x80, s1  }
0x13d: {  	v30 =	vld [tilespmem:s0+$0x2280];
	s1 =	sand.u32 $0x380, s1;
	s5 =	sshra.s32 s5, $0x2  }
0x13e: {  	v31 =	vld [tilespmem:s0+$0x2290];
	s1 =	sor.u32 s1, s5  }
0x13f: {  	v32 =	vld [tilespmem:s1+$0x22A0]  }
0x140: {  	v33 =	vld [tilespmem:s1+$0x1A80]  }
0x141: {  	v34 =	vld [tilespmem:s1+$0x1A90]  }
0x142: {  	v35 =	vld [tilespmem:s1+$0x1AA0]  }
0x143: {  	v36 =	vld [tilespmem:s1+$0x1AB0]  }
0x144: {  	v37 =	vld [tilespmem:s1+$0x1AC0]  }
0x145: {  	v38 =	vld [tilespmem:s1+$0x1AD0]  }
0x146: {  	v39 =	vld [tilespmem:s1+$0x1AE0]  }
0x147: {  	v40 =	vld [tilespmem:s1+$0x1AF0]  }
0x148: {  	v41 =	vld [tilespmem:s1+$0x1E80]  }
0x149: {  	v42 =	vld [tilespmem:s1+$0x1E90]  }
0x14a: {  	v43 =	vld [tilespmem:s1+$0x1EA0]  }
0x14b: {  	s7 =	sshrl.u32 s28, $0x2;
	v44 =	vld [tilespmem:s1+$0x1EB0]  }
0x14c: {  	s0 =	smul.u32 $0x3000, s7;
	v45 =	vld [tilespmem:s1+$0x1EC0]  }
0x14d: {  	v46 =	vld [tilespmem:s1+$0x1ED0];
	v22 =	vadd.f32 v33, v22  }
0x14e: {  	s8 =	sshll.u32 s28, $0x8;
	s0 =	sshra.s32 s0, $0x2;
	v57 =	vld [tilespmem:s1+$0x1EE0];
	v21 =	vadd.f32 v34, v21  }
0x14f: {  	s31 =	sand.u32 $0x300, s8;
	v58 =	vld [tilespmem:s1+$0x1EF0];
	s29 =	sadd.s32 $0xC280, s0;
	v20 =	vadd.f32 v35, v20;
	v22 =	vmul.f32 $1.999999960e-02, v22  }
0x150: {  	v59 =	vld [tilespmem:s1+$0x2280];
	s9 =	sadd.s32 s31, s29;
	v19 =	vadd.f32 v36, v19;
	v21 =	vmul.f32 $1.999999960e-02, v21  }
0x151: {  	v60 =	vld [tilespmem:s1+$0x2290];
	v18 =	vadd.f32 v37, v18;
	v20 =	vmul.f32 $1.999999960e-02, v20;
	[tilespmem:s9+$0x0] =	vst v22  }
0x152: {  	v17 =	vadd.f32 v38, v17;
	v19 =	vmul.f32 $1.999999960e-02, v19;
	[tilespmem:s9+$0x10] =	vst v21  }
0x153: {  	v16 =	vadd.f32 v39, v16;
	v18 =	vmul.f32 $1.999999960e-02, v18;
	[tilespmem:s9+$0x20] =	vst v20  }
0x154: {  	v9 =	vadd.f32 v27, v9;
	v15 =	vadd.f32 v40, v15;
	v17 =	vmul.f32 $1.999999960e-02, v17;
	[tilespmem:s9+$0x30] =	vst v19  }
0x155: {  	v14 =	vadd.f32 v26, v14;
	v13 =	vadd.f32 v41, v13;
	v16 =	vmul.f32 $1.999999960e-02, v16;
	[tilespmem:s9+$0x40] =	vst v18  }
0x156: {  	v12 =	vadd.f32 v23, v12;
	v9 =	vadd.f32 v42, v9;
	v15 =	vmul.f32 $1.999999960e-02, v15;
	[tilespmem:s9+$0x50] =	vst v17  }
0x157: {  	v11 =	vadd.f32 v24, v11;
	s30 =	sadd.s32 $0xC680, s0;
	v14 =	vadd.f32 v43, v14;
	v13 =	vmul.f32 $1.999999960e-02, v13;
	[tilespmem:s9+$0x60] =	vst v16  }
0x158: {  	v10 =	vadd.f32 v25, v10;
	s5 =	sadd.s32 s31, s30;
	v12 =	vadd.f32 v44, v12;
	v9 =	vmul.f32 $1.999999960e-02, v9;
	[tilespmem:s9+$0x70] =	vst v15  }
0x159: {  	v7 =	vadd.f32 v28, v7;
	v11 =	vadd.f32 v45, v11;
	v61 =	vmul.f32 $1.999999960e-02, v14;
	[tilespmem:s5+$0x0] =	vst v13  }
0x15a: {  	v8 =	vadd.f32 v29, v8;
	v10 =	vadd.f32 v46, v10;
	v62 =	vmul.f32 $1.999999960e-02, v12;
	[tilespmem:s5+$0x10] =	vst v9  }
0x15b: {  	v6 =	vadd.f32 v30, v6;
	v7 =	vadd.f32 v57, v7;
	v11 =	vmul.f32 $1.999999960e-02, v11;
	[tilespmem:s5+$0x20] =	vst v61  }
0x15c: {  	v5 =	vadd.f32 v31, v5;
	v8 =	vadd.f32 v58, v8;
	v63 =	vmul.f32 $1.999999960e-02, v10;
	[tilespmem:s5+$0x30] =	vst v62  }
0x15d: {  	v6 =	vadd.f32 v59, v6;
	v7 =	vmul.f32 $1.999999960e-02, v7;
	[tilespmem:s5+$0x40] =	vst v11  }
0x15e: {  	v5 =	vadd.f32 v60, v5;
	v8 =	vmul.f32 $1.999999960e-02, v8;
	[tilespmem:s5+$0x50] =	vst v63  }
0x15f: {  	s1 =	sadd.s32 $0xCA80, s0;
	v4 =	vadd.f32 v32, v4;
	v6 =	vmul.f32 $1.999999960e-02, v6;
	[tilespmem:s5+$0x60] =	vst v7  }
0x160: {  	s0 =	sadd.s32 s31, s1;
	v5 =	vmul.f32 $1.999999960e-02, v5;
	[tilespmem:s5+$0x70] =	vst v8  }
0x161: {  	v4 =	vmul.f32 $1.999999960e-02, v4;
	[tilespmem:s0+$0x0] =	vst v6  }
0x162: {  	[tilespmem:s0+$0x10] =	vst v5  }
0x163: {  	p0 =	seq.s32 s28, $0x3F;
	[tilespmem:s0+$0x20] =	vst v4  }
.Ltmp3:
0x164: {  	[tilespmem:s0+$0x30] =	vst v3;
	(pc) =	sbr.rel @p0 .LBB2_6-.Ltmp3, $4  }
0x165: {  	[tilespmem:s0+$0x40] =	vst v3  }
0x166: {  	[tilespmem:s0+$0x50] =	vst v3  }
0x167: {  	[tilespmem:s0+$0x60] =	vst v3  }
0x168: {  	[tilespmem:s0+$0x70] =	vst v3  }
0x169: {  	s0 =	smul.u32 $0x190, s28;
	_ =	sdelay $0x1  }
0x16a: {  	s0 =	sshra.s32 s0, $0x2  }
0x16b: {  	v4 =	vld [tilespmem:s0+$0x64];
	_ =	sdelay $0x4  }
0x16c: {  	[tilespmem:$0x1980] =	vst v4  }
0x16d: {  	v5 =	vld [tilespmem:s0+$0x74];
	_ =	sdelay $0x4  }
0x16e: {  	[tilespmem:$0x1990] =	vst v5  }
0x16f: {  	v5 =	vld [tilespmem:s0+$0x84]  }
0x170: {  	v6 =	vshrl.u32 v4, $0x3  }
0x171: {  	v6 =	vmul.u32 $0x18, v6  }
0x172: {  	v4 =	vand.u32 $0x7, v4  }
0x173: {  	v4 =	vor.u32 v4, v6  }
0x174: {  	[tilespmem:$0x19A0] =	vst v5;
	v5 =	vperm.xlane v4, v0  }
0x175: {  	v63 =	vld [tilespmem:s0+$0x86]  }
0x176: {  	v4 =	vperm.xlane v4, v2;
	v5 =	vadd.s32 v1, v5;
	_ =	sdelay $0x1  }
0x177: {  	v4 =	vadd.s32 v1, v4;
	_ =	sdelay $0x1  }
0x178: {  	s9 =	simm.s32 $0x1A80;
	[tilespmem:$0x19A2] =	vst v63  }
0x179: {  	[tilespmem:s9], [sflag:$0x1] =	stream.indirect_vreg.gather [hbm4b:s3+s2], $0x80, v5, vm0, $0xb8;
	[tilespmem:$0x18280] =	vst v63  }
0x17a: {  	s5 =	simm.s32 $0x2680  }
0x17b: {  	[tilespmem:s5], [sflag:$0x1] =	stream.indirect_vreg.gather [hbm4b:s3+s2], $0x80, v4, vm0, $0xb8;
	[tilespmem:$0x18280] =	vst v63  }
0x17c: {  	v4 =	vld [tilespmem:$0x1990];
	_ =	sdelay $0x4  }
0x17d: {  	v5 =	vshrl.u32 v4, $0x3  }
0x17e: {  	v5 =	vmul.u32 $0x18, v5  }
0x17f: {  	v4 =	vand.u32 $0x7, v4  }
0x180: {  	v4 =	vor.u32 v4, v5  }
0x181: {  	v5 =	vperm.xlane v4, v0;
	_ =	sdelay $0x1  }
0x182: {  	v4 =	vperm.xlane v4, v2;
	v5 =	vadd.s32 v1, v5;
	_ =	sdelay $0x1  }
0x183: {  	v4 =	vadd.s32 v1, v4;
	_ =	sdelay $0x1  }
0x184: {  	s7 =	simm.s32 $0x3280  }
0x185: {  	[tilespmem:s7], [sflag:$0x1] =	stream.indirect_vreg.gather [hbm4b:s3+s2], $0x80, v5, vm0, $0xb8;
	[tilespmem:$0x18280] =	vst v63  }
0x186: {  	s8 =	simm.s32 $0x3E80  }
0x187: {  	[tilespmem:s8], [sflag:$0x1] =	stream.indirect_vreg.gather [hbm4b:s3+s2], $0x80, v4, vm0, $0xb8;
	[tilespmem:$0x18280] =	vst v63  }
0x188: {  	v4 =	vld [tilespmem:$0x19A0];
	_ =	sdelay $0x4  }
0x189: {  	v5 =	vshrl.u32 v4, $0x3  }
0x18a: {  	v5 =	vmul.u32 $0x18, v5  }
0x18b: {  	v4 =	vand.u32 $0x7, v4  }
0x18c: {  	v4 =	vor.u32 v4, v5  }
0x18d: {  	v5 =	vperm.xlane v4, v0;
	_ =	sdelay $0x1  }
0x18e: {  	v4 =	vperm.xlane v4, v2;
	v5 =	vadd.s32 v1, v5;
	_ =	sdelay $0x1  }
0x18f: {  	v4 =	vadd.s32 v1, v4;
	_ =	sdelay $0x1  }
0x190: {  	s9 =	simm.s32 $0x4A80  }
0x191: {  	[tilespmem:s9], [sflag:$0x1] =	stream.indirect_vreg.gather [hbm4b:s3+s2], $0x80, v5, vm0, $0xb8;
	[tilespmem:$0x18280] =	vst v63  }
0x192: {  	s5 =	simm.s32 $0x5680  }
0x193: {  	[tilespmem:s5], [sflag:$0x1] =	stream.indirect_vreg.gather [hbm4b:s3+s2], $0x80, v4, vm0, $0xb8;
	[tilespmem:$0x18280] =	vst v63  }
0x194: {  	v4 =	vld.msk [tilespmem:$0x19B0], $0x3;
	_ =	sdelay $0x4  }
0x195: {  	v5 =	vshrl.u32 v4, $0x3  }
0x196: {  	v5 =	vmul.u32 $0x18, v5  }
0x197: {  	v4 =	vand.u32 $0x7, v4  }
0x198: {  	v4 =	vor.u32 v4, v5  }
0x199: {  	v4 =	vperm.xlane v4, v0;
	_ =	sdelay $0x1  }
0x19a: {  	v4 =	vadd.s32 v1, v4;
	_ =	sdelay $0x3  }
0x19b: {  	s7 =	simm.s32 $0x6280  }
0x19c: {  	[tilespmem:s7], [sflag:$0x1] =	stream.indirect_vreg.gather [hbm4b:s3+s2], $0x80, v4, vm1, $0xb8;
	[tilespmem:$0x18280] =	vst v63  }
0x19d: {  	v4 =	vld [tilespmem:$0x1980];
	_ =	sdelay $0x4  }
0x19e: {  	v5 =	vshrl.u32 v4, $0x3  }
0x19f: {  	v5 =	vmul.u32 $0x18, v5  }
0x1a0: {  	v4 =	vand.u32 $0x7, v4  }
0x1a1: {  	v4 =	vor.u32 v4, v5  }
0x1a2: {  	v5 =	vperm.xlane v4, v0;
	_ =	sdelay $0x1  }
0x1a3: {  	v4 =	vperm.xlane v4, v2;
	v5 =	vadd.s32 v1, v5;
	_ =	sdelay $0x1  }
0x1a4: {  	v4 =	vadd.s32 v1, v4;
	_ =	sdelay $0x1  }
0x1a5: {  	s8 =	simm.s32 $0x1E80  }
0x1a6: {  	[tilespmem:s8], [sflag:$0x1] =	stream.indirect_vreg.gather [hbm4b:s6+s2], $0x80, v5, vm0, $0xb8;
	[tilespmem:$0x18280] =	vst v63  }
0x1a7: {  	s9 =	simm.s32 $0x2A80  }
0x1a8: {  	[tilespmem:s9], [sflag:$0x1] =	stream.indirect_vreg.gather [hbm4b:s6+s2], $0x80, v4, vm0, $0xb8;
	[tilespmem:$0x18280] =	vst v63  }
0x1a9: {  	v4 =	vld [tilespmem:$0x1990];
	_ =	sdelay $0x4  }
0x1aa: {  	v5 =	vshrl.u32 v4, $0x3  }
0x1ab: {  	v5 =	vmul.u32 $0x18, v5  }
0x1ac: {  	v4 =	vand.u32 $0x7, v4  }
0x1ad: {  	v4 =	vor.u32 v4, v5  }
0x1ae: {  	v5 =	vperm.xlane v4, v0;
	_ =	sdelay $0x1  }
0x1af: {  	v4 =	vperm.xlane v4, v2;
	v5 =	vadd.s32 v1, v5;
	_ =	sdelay $0x1  }
0x1b0: {  	v4 =	vadd.s32 v1, v4;
	_ =	sdelay $0x1  }
0x1b1: {  	s5 =	simm.s32 $0x3680  }
0x1b2: {  	[tilespmem:s5], [sflag:$0x1] =	stream.indirect_vreg.gather [hbm4b:s6+s2], $0x80, v5, vm0, $0xb8;
	[tilespmem:$0x18280] =	vst v63  }
0x1b3: {  	s7 =	simm.s32 $0x4280  }
0x1b4: {  	[tilespmem:s7], [sflag:$0x1] =	stream.indirect_vreg.gather [hbm4b:s6+s2], $0x80, v4, vm0, $0xb8;
	[tilespmem:$0x18280] =	vst v63  }
0x1b5: {  	v4 =	vld [tilespmem:$0x19A0];
	_ =	sdelay $0x4  }
0x1b6: {  	v5 =	vshrl.u32 v4, $0x3  }
0x1b7: {  	v5 =	vmul.u32 $0x18, v5  }
0x1b8: {  	v4 =	vand.u32 $0x7, v4  }
0x1b9: {  	v4 =	vor.u32 v4, v5  }
0x1ba: {  	v5 =	vperm.xlane v4, v0;
	_ =	sdelay $0x1  }
0x1bb: {  	v4 =	vperm.xlane v4, v2;
	v5 =	vadd.s32 v1, v5;
	_ =	sdelay $0x1  }
0x1bc: {  	v4 =	vadd.s32 v1, v4;
	_ =	sdelay $0x1  }
0x1bd: {  	s8 =	simm.s32 $0x4E80  }
0x1be: {  	[tilespmem:s8], [sflag:$0x1] =	stream.indirect_vreg.gather [hbm4b:s6+s2], $0x80, v5, vm0, $0xb8;
	[tilespmem:$0x18280] =	vst v63  }
0x1bf: {  	s9 =	simm.s32 $0x5A80  }
0x1c0: {  	[tilespmem:s9], [sflag:$0x1] =	stream.indirect_vreg.gather [hbm4b:s6+s2], $0x80, v4, vm0, $0xb8;
	[tilespmem:$0x18280] =	vst v63  }
0x1c1: {  	v4 =	vld.msk [tilespmem:$0x19B0], $0x3;
	_ =	sdelay $0x4  }
0x1c2: {  	v5 =	vshrl.u32 v4, $0x3  }
0x1c3: {  	v5 =	vmul.u32 $0x18, v5  }
0x1c4: {  	v4 =	vand.u32 $0x7, v4  }
0x1c5: {  	v4 =	vor.u32 v4, v5  }
0x1c6: {  	v4 =	vperm.xlane v4, v0;
	_ =	sdelay $0x1  }
0x1c7: {  	v4 =	vadd.s32 v1, v4;
	_ =	sdelay $0x3  }
0x1c8: {  	s5 =	simm.s32 $0x6680  }
0x1c9: {  	[tilespmem:s5], [sflag:$0x1] =	stream.indirect_vreg.gather [hbm4b:s6+s2], $0x80, v4, vm1, $0xb8;
	[tilespmem:$0x18280] =	vst v63  }
0x1ca: {  	v4 =	vld [tilespmem:$0x1980];
	_ =	sdelay $0x4  }
0x1cb: {  	v5 =	vperm.xlane v4, v0;
	_ =	sdelay $0x1  }
0x1cc: {  	v4 =	vperm.xlane v4, v2;
	v5 =	vadd.s32 v1, v5;
	_ =	sdelay $0x1  }
0x1cd: {  	v4 =	vadd.s32 v1, v4;
	_ =	sdelay $0x1  }
0x1ce: {  	s7 =	simm.s32 $0x2280  }
0x1cf: {  	[tilespmem:s7], [sflag:$0x1] =	stream.indirect_vreg.gather [hbm4b:s4+s2], $0x80, v5, vm0, $0xb8;
	[tilespmem:$0x18280] =	vst v63  }
0x1d0: {  	s8 =	simm.s32 $0x2E80  }
0x1d1: {  	[tilespmem:s8], [sflag:$0x1] =	stream.indirect_vreg.gather [hbm4b:s4+s2], $0x80, v4, vm0, $0xb8;
	[tilespmem:$0x18280] =	vst v63  }
0x1d2: {  	v4 =	vld [tilespmem:$0x1990];
	_ =	sdelay $0x4  }
0x1d3: {  	v5 =	vperm.xlane v4, v0;
	_ =	sdelay $0x1  }
0x1d4: {  	v4 =	vperm.xlane v4, v2;
	v5 =	vadd.s32 v1, v5;
	_ =	sdelay $0x1  }
0x1d5: {  	v4 =	vadd.s32 v1, v4;
	_ =	sdelay $0x1  }
0x1d6: {  	s9 =	simm.s32 $0x3A80  }
0x1d7: {  	[tilespmem:s9], [sflag:$0x1] =	stream.indirect_vreg.gather [hbm4b:s4+s2], $0x80, v5, vm0, $0xb8;
	[tilespmem:$0x18280] =	vst v63  }
0x1d8: {  	s5 =	simm.s32 $0x4680  }
0x1d9: {  	[tilespmem:s5], [sflag:$0x1] =	stream.indirect_vreg.gather [hbm4b:s4+s2], $0x80, v4, vm0, $0xb8;
	[tilespmem:$0x18280] =	vst v63  }
0x1da: {  	v4 =	vld [tilespmem:$0x19A0];
	_ =	sdelay $0x4  }
0x1db: {  	v5 =	vperm.xlane v4, v0;
	_ =	sdelay $0x1  }
0x1dc: {  	v4 =	vperm.xlane v4, v2;
	v5 =	vadd.s32 v1, v5;
	_ =	sdelay $0x1  }
0x1dd: {  	v4 =	vadd.s32 v1, v4;
	_ =	sdelay $0x1  }
0x1de: {  	s7 =	simm.s32 $0x5280  }
0x1df: {  	[tilespmem:s7], [sflag:$0x1] =	stream.indirect_vreg.gather [hbm4b:s4+s2], $0x80, v5, vm0, $0xb8;
	[tilespmem:$0x18280] =	vst v63  }
0x1e0: {  	s8 =	simm.s32 $0x5E80  }
0x1e1: {  	[tilespmem:s8], [sflag:$0x1] =	stream.indirect_vreg.gather [hbm4b:s4+s2], $0x80, v4, vm0, $0xb8;
	[tilespmem:$0x18280] =	vst v63  }
0x1e2: {  	v4 =	vld.msk [tilespmem:$0x19B0], $0x3;
	_ =	sdelay $0x4  }
0x1e3: {  	v4 =	vperm.xlane v4, v0;
	_ =	sdelay $0x1  }
0x1e4: {  	v4 =	vadd.s32 v1, v4;
	_ =	sdelay $0x3  }
0x1e5: {  	s9 =	simm.s32 $0x6A80  }
0x1e6: {  	[tilespmem:s9], [sflag:$0x1] =	stream.indirect_vreg.gather [hbm4b:s4+s2], $0x80, v4, vm1, $0xb8;
	[tilespmem:$0x18280] =	vst v63  }
.LBB2_6:
0x1e7: {  	_ =	swait.ge [sflag:s26], $0x1900  }
0x1e8: {  	[sflag:s26] =	ssyncset.done $0x0  }
0x1e9: {  	[sflag:s26] =	ssyncadd.s32 $0xFFFFE700  }
0x1ea: {  	_ =	swait.ge [sflag:s26], $0x1900  }
0x1eb: {  	s0 =	simm.s32 $0x0;
	[sflag:s26] =	ssyncset.done $0x0  }
0x1ec: {  	s5 =	smul.u32 $0x3000, s0;
	[sflag:s26] =	ssyncadd.s32 $0xFFFFE700  }
0x1ed: {  	s0 =	simm.s32 $0x0;
	_ =	swait.ge [sflag:s26], $0x1900  }
0x1ee: {  	s7 =	sand.u32 $0x380, s0;
	s5 =	sshra.s32 s5, $0x2;
	[sflag:s26] =	ssyncset.done $0x0  }
0x1ef: {  	s5 =	sor.u32 s7, s5;
	[sflag:s26] =	ssyncadd.s32 $0xFFFFE700  }
0x1f0: {  	v4 =	vld [tilespmem:s5+$0x76A0]  }
0x1f1: {  	v5 =	vld [tilespmem:s5+$0x6E80]  }
0x1f2: {  	v6 =	vld [tilespmem:s5+$0x6E90]  }
0x1f3: {  	v8 =	vld [tilespmem:s5+$0x6EA0]  }
0x1f4: {  	v9 =	vld [tilespmem:s5+$0x6EB0]  }
0x1f5: {  	v10 =	vld [tilespmem:s5+$0x6EC0]  }
0x1f6: {  	v11 =	vld [tilespmem:s5+$0x6ED0]  }
0x1f7: {  	v12 =	vld [tilespmem:s5+$0x6EE0]  }
0x1f8: {  	v7 =	vimm.f32 $0.0e+00;
	v13 =	vld [tilespmem:s5+$0x6EF0]  }
0x1f9: {  	v14 =	vld [tilespmem:s5+$0x7280];
	v4 =	vadd.f32 v4, v7  }
0x1fa: {  	v22 =	vadd.f32 v5, v7;
	v21 =	vadd.f32 v6, v7  }
0x1fb: {  	v20 =	vadd.f32 v8, v7;
	v19 =	vadd.f32 v9, v7  }
0x1fc: {  	v27 =	vld [tilespmem:s5+$0x7290];
	v18 =	vadd.f32 v10, v7;
	v17 =	vadd.f32 v11, v7  }
0x1fd: {  	v26 =	vld [tilespmem:s5+$0x72A0];
	v16 =	vadd.f32 v12, v7;
	v15 =	vadd.f32 v13, v7  }
0x1fe: {  	v23 =	vld [tilespmem:s5+$0x72B0];
	v13 =	vadd.f32 v14, v7;
	v14 =	vimm.f32 $0.0e+00;
	v12 =	vimm.f32 $0.0e+00  }
0x1ff: {  	v24 =	vld [tilespmem:s5+$0x72C0];
	v11 =	vimm.f32 $0.0e+00;
	v10 =	vimm.f32 $0.0e+00;
	v8 =	vimm.f32 $0.0e+00  }
0x200: {  	s8 =	simm.s32 $0x0;
	s7 =	simm.s32 $0x2;
	v25 =	vld [tilespmem:s5+$0x72D0];
	v9 =	vimm.f32 $0.0e+00;
	v6 =	vimm.f32 $0.0e+00;
	v5 =	vimm.f32 $0.0e+00  }
.LBB2_7:
0x201: {  	p1 =	sne.s32 s7, $0x31;
	s8 =	smul.u32 $0x3000, s8;
	v7 =	vadd.f32 v27, v7;
	v27 =	vld [tilespmem:s5+$0x72E0]  }
0x202: {  	s0 =	sadd.s32 $0x80, s0;
	v14 =	vadd.f32 v26, v14;
	v26 =	vld [tilespmem:s5+$0x72F0]  }
0x203: {  	s9 =	sand.u32 $0x380, s0;
	s8 =	sshra.s32 s8, $0x2;
	v12 =	vadd.f32 v23, v12;
	v23 =	vld [tilespmem:s5+$0x7680]  }
0x204: {  	v11 =	vadd.f32 v24, v11;
	v24 =	vld [tilespmem:s5+$0x7690];
	s5 =	sor.u32 s9, s8  }
0x205: {  	v28 =	vld [tilespmem:s5+$0x76A0];
	v10 =	vadd.f32 v25, v10  }
0x206: {  	v25 =	vld [tilespmem:s5+$0x6E80];
	v8 =	vadd.f32 v27, v8  }
0x207: {  	v27 =	vld [tilespmem:s5+$0x6E90];
	v9 =	vadd.f32 v26, v9  }
0x208: {  	v26 =	vld [tilespmem:s5+$0x6EA0];
	v6 =	vadd.f32 v23, v6  }
0x209: {  	v23 =	vld [tilespmem:s5+$0x6EB0];
	v5 =	vadd.f32 v24, v5  }
0x20a: {  	v24 =	vld [tilespmem:s5+$0x6EC0];
	v4 =	vadd.f32 v28, v4  }
0x20b: {  	v22 =	vadd.f32 v25, v22;
	v25 =	vld [tilespmem:s5+$0x6ED0]  }
0x20c: {  	v21 =	vadd.f32 v27, v21;
	v28 =	vld [tilespmem:s5+$0x6EE0]  }
0x20d: {  	v20 =	vadd.f32 v26, v20;
	v29 =	vld [tilespmem:s5+$0x6EF0]  }
0x20e: {  	v19 =	vadd.f32 v23, v19;
	v30 =	vld [tilespmem:s5+$0x7280]  }
.Ltmp4:
0x20f: {  	v18 =	vadd.f32 v24, v18;
	v27 =	vld [tilespmem:s5+$0x7290];
	(pc) =	sbr.rel @p1 .LBB2_7-.Ltmp4, $4  }
0x210: {  	v17 =	vadd.f32 v25, v17;
	v26 =	vld [tilespmem:s5+$0x72A0]  }
0x211: {  	v16 =	vadd.f32 v28, v16;
	v23 =	vld [tilespmem:s5+$0x72B0]  }
0x212: {  	v15 =	vadd.f32 v29, v15;
	v24 =	vld [tilespmem:s5+$0x72C0]  }
0x213: {  	s8 =	sshrl.u32 s7, $0x3;
	s7 =	sadd.s32 $0x1, s7;
	v13 =	vadd.f32 v30, v13;
	v25 =	vld [tilespmem:s5+$0x72D0]  }
0x214: {  	s7 =	smul.u32 $0x3000, s8;
	v28 =	vld [tilespmem:s5+$0x72E0]  }
0x215: {  	v29 =	vld [tilespmem:s5+$0x72F0];
	s0 =	sadd.s32 $0x80, s0  }
0x216: {  	v30 =	vld [tilespmem:s5+$0x7680];
	s0 =	sand.u32 $0x380, s0;
	s7 =	sshra.s32 s7, $0x2  }
0x217: {  	v31 =	vld [tilespmem:s5+$0x7690];
	s0 =	sor.u32 s0, s7  }
0x218: {  	v32 =	vld [tilespmem:s0+$0x76A0]  }
0x219: {  	v33 =	vld [tilespmem:s0+$0x6E80]  }
0x21a: {  	v34 =	vld [tilespmem:s0+$0x6E90]  }
0x21b: {  	v35 =	vld [tilespmem:s0+$0x6EA0]  }
0x21c: {  	v36 =	vld [tilespmem:s0+$0x6EB0]  }
0x21d: {  	v37 =	vld [tilespmem:s0+$0x6EC0]  }
0x21e: {  	v38 =	vld [tilespmem:s0+$0x6ED0]  }
0x21f: {  	v39 =	vld [tilespmem:s0+$0x6EE0]  }
0x220: {  	v40 =	vld [tilespmem:s0+$0x6EF0]  }
0x221: {  	v41 =	vld [tilespmem:s0+$0x7280]  }
0x222: {  	v42 =	vld [tilespmem:s0+$0x7290]  }
0x223: {  	v43 =	vld [tilespmem:s0+$0x72A0]  }
0x224: {  	v44 =	vld [tilespmem:s0+$0x72B0]  }
0x225: {  	v45 =	vld [tilespmem:s0+$0x72C0]  }
0x226: {  	v46 =	vld [tilespmem:s0+$0x72D0];
	v22 =	vadd.f32 v33, v22  }
0x227: {  	v56 =	vld [tilespmem:s0+$0x72E0];
	v21 =	vadd.f32 v34, v21  }
0x228: {  	s9 =	sor.u32 $0x80, s31;
	v57 =	vld [tilespmem:s0+$0x72F0];
	v20 =	vadd.f32 v35, v20;
	v22 =	vmul.f32 $1.999999960e-02, v22  }
0x229: {  	s29 =	sadd.s32 s9, s29;
	v58 =	vld [tilespmem:s0+$0x7680];
	v19 =	vadd.f32 v36, v19;
	v21 =	vmul.f32 $1.999999960e-02, v21  }
0x22a: {  	v59 =	vld [tilespmem:s0+$0x7690];
	v18 =	vadd.f32 v37, v18;
	v20 =	vmul.f32 $1.999999960e-02, v20;
	[tilespmem:s29+$0x0] =	vst v22  }
0x22b: {  	v17 =	vadd.f32 v38, v17;
	v19 =	vmul.f32 $1.999999960e-02, v19;
	[tilespmem:s29+$0x10] =	vst v21  }
0x22c: {  	v16 =	vadd.f32 v39, v16;
	v18 =	vmul.f32 $1.999999960e-02, v18;
	[tilespmem:s29+$0x20] =	vst v20  }
0x22d: {  	v7 =	vadd.f32 v27, v7;
	v15 =	vadd.f32 v40, v15;
	v17 =	vmul.f32 $1.999999960e-02, v17;
	[tilespmem:s29+$0x30] =	vst v19  }
0x22e: {  	v14 =	vadd.f32 v26, v14;
	v13 =	vadd.f32 v41, v13;
	v16 =	vmul.f32 $1.999999960e-02, v16;
	[tilespmem:s29+$0x40] =	vst v18  }
0x22f: {  	v12 =	vadd.f32 v23, v12;
	v7 =	vadd.f32 v42, v7;
	v15 =	vmul.f32 $1.999999960e-02, v15;
	[tilespmem:s29+$0x50] =	vst v17  }
0x230: {  	v11 =	vadd.f32 v24, v11;
	v14 =	vadd.f32 v43, v14;
	v13 =	vmul.f32 $1.999999960e-02, v13;
	[tilespmem:s29+$0x60] =	vst v16  }
0x231: {  	s30 =	sadd.s32 s9, s30;
	v10 =	vadd.f32 v25, v10;
	v12 =	vadd.f32 v44, v12;
	v7 =	vmul.f32 $1.999999960e-02, v7;
	[tilespmem:s29+$0x70] =	vst v15  }
0x232: {  	v8 =	vadd.f32 v28, v8;
	v11 =	vadd.f32 v45, v11;
	v60 =	vmul.f32 $1.999999960e-02, v14;
	[tilespmem:s30+$0x0] =	vst v13  }
0x233: {  	v9 =	vadd.f32 v29, v9;
	v10 =	vadd.f32 v46, v10;
	v61 =	vmul.f32 $1.999999960e-02, v12;
	[tilespmem:s30+$0x10] =	vst v7  }
0x234: {  	v6 =	vadd.f32 v30, v6;
	v8 =	vadd.f32 v56, v8;
	v11 =	vmul.f32 $1.999999960e-02, v11;
	[tilespmem:s30+$0x20] =	vst v60  }
0x235: {  	v5 =	vadd.f32 v31, v5;
	v9 =	vadd.f32 v57, v9;
	v62 =	vmul.f32 $1.999999960e-02, v10;
	[tilespmem:s30+$0x30] =	vst v61  }
0x236: {  	v6 =	vadd.f32 v58, v6;
	v8 =	vmul.f32 $1.999999960e-02, v8;
	[tilespmem:s30+$0x40] =	vst v11  }
0x237: {  	v5 =	vadd.f32 v59, v5;
	v63 =	vmul.f32 $1.999999960e-02, v9;
	[tilespmem:s30+$0x50] =	vst v62  }
0x238: {  	v4 =	vadd.f32 v32, v4;
	v6 =	vmul.f32 $1.999999960e-02, v6;
	[tilespmem:s30+$0x60] =	vst v8  }
0x239: {  	s31 =	sadd.s32 s9, s1;
	v5 =	vmul.f32 $1.999999960e-02, v5;
	[tilespmem:s30+$0x70] =	vst v63  }
0x23a: {  	v4 =	vmul.f32 $1.999999960e-02, v4;
	[tilespmem:s31+$0x0] =	vst v6  }
0x23b: {  	[tilespmem:s31+$0x10] =	vst v5  }
0x23c: {  	[tilespmem:s31+$0x20] =	vst v4  }
.Ltmp5:
0x23d: {  	[tilespmem:s31+$0x30] =	vst v3;
	(pc) =	sbr.rel @p0 .LBB2_10-.Ltmp5, $4  }
0x23e: {  	[tilespmem:s31+$0x40] =	vst v3  }
0x23f: {  	[tilespmem:s31+$0x50] =	vst v3  }
0x240: {  	[tilespmem:s31+$0x60] =	vst v3  }
0x241: {  	[tilespmem:s31+$0x70] =	vst v3  }
0x242: {  	s0 =	smul.u32 $0x190, s28;
	_ =	sdelay $0x1  }
0x243: {  	s0 =	sshra.s32 s0, $0x2  }
0x244: {  	v4 =	vld [tilespmem:s0+$0x96];
	_ =	sdelay $0x4  }
0x245: {  	[tilespmem:$0x1A00] =	vst v4  }
0x246: {  	v5 =	vld [tilespmem:s0+$0xA6];
	_ =	sdelay $0x4  }
0x247: {  	[tilespmem:$0x1A10] =	vst v5  }
0x248: {  	v5 =	vld [tilespmem:s0+$0xB6]  }
0x249: {  	v6 =	vshrl.u32 v4, $0x3  }
0x24a: {  	v6 =	vmul.u32 $0x18, v6  }
0x24b: {  	v4 =	vand.u32 $0x7, v4  }
0x24c: {  	v4 =	vor.u32 v4, v6  }
0x24d: {  	[tilespmem:$0x1A20] =	vst v5;
	v5 =	vperm.xlane v4, v0  }
0x24e: {  	v63 =	vld [tilespmem:s0+$0xB8]  }
0x24f: {  	v4 =	vperm.xlane v4, v2;
	v5 =	vadd.s32 v1, v5;
	_ =	sdelay $0x1  }
0x250: {  	v4 =	vadd.s32 v1, v4;
	_ =	sdelay $0x1  }
0x251: {  	s7 =	simm.s32 $0x6E80;
	[tilespmem:$0x1A22] =	vst v63  }
0x252: {  	[tilespmem:s7], [sflag:$0x2] =	stream.indirect_vreg.gather [hbm4b:s3+s2], $0x80, v5, vm0, $0xb8;
	[tilespmem:$0x18280] =	vst v63  }
0x253: {  	s8 =	simm.s32 $0x7A80  }
0x254: {  	[tilespmem:s8], [sflag:$0x2] =	stream.indirect_vreg.gather [hbm4b:s3+s2], $0x80, v4, vm0, $0xb8;
	[tilespmem:$0x18280] =	vst v63  }
0x255: {  	v4 =	vld [tilespmem:$0x1A10];
	_ =	sdelay $0x4  }
0x256: {  	v5 =	vshrl.u32 v4, $0x3  }
0x257: {  	v5 =	vmul.u32 $0x18, v5  }
0x258: {  	v4 =	vand.u32 $0x7, v4  }
0x259: {  	v4 =	vor.u32 v4, v5  }
0x25a: {  	v5 =	vperm.xlane v4, v0;
	_ =	sdelay $0x1  }
0x25b: {  	v4 =	vperm.xlane v4, v2;
	v5 =	vadd.s32 v1, v5;
	_ =	sdelay $0x1  }
0x25c: {  	v4 =	vadd.s32 v1, v4;
	_ =	sdelay $0x1  }
0x25d: {  	s9 =	simm.s32 $0x8680  }
0x25e: {  	[tilespmem:s9], [sflag:$0x2] =	stream.indirect_vreg.gather [hbm4b:s3+s2], $0x80, v5, vm0, $0xb8;
	[tilespmem:$0x18280] =	vst v63  }
0x25f: {  	s29 =	simm.s32 $0x9280  }
0x260: {  	[tilespmem:s29], [sflag:$0x2] =	stream.indirect_vreg.gather [hbm4b:s3+s2], $0x80, v4, vm0, $0xb8;
	[tilespmem:$0x18280] =	vst v63  }
0x261: {  	v4 =	vld [tilespmem:$0x1A20];
	_ =	sdelay $0x4  }
0x262: {  	v5 =	vshrl.u32 v4, $0x3  }
0x263: {  	v5 =	vmul.u32 $0x18, v5  }
0x264: {  	v4 =	vand.u32 $0x7, v4  }
0x265: {  	v4 =	vor.u32 v4, v5  }
0x266: {  	v5 =	vperm.xlane v4, v0;
	_ =	sdelay $0x1  }
0x267: {  	v4 =	vperm.xlane v4, v2;
	v5 =	vadd.s32 v1, v5;
	_ =	sdelay $0x1  }
0x268: {  	v4 =	vadd.s32 v1, v4;
	_ =	sdelay $0x1  }
0x269: {  	s30 =	simm.s32 $0x9E80  }
0x26a: {  	[tilespmem:s30], [sflag:$0x2] =	stream.indirect_vreg.gather [hbm4b:s3+s2], $0x80, v5, vm0, $0xb8;
	[tilespmem:$0x18280] =	vst v63  }
0x26b: {  	s31 =	simm.s32 $0xAA80  }
0x26c: {  	[tilespmem:s31], [sflag:$0x2] =	stream.indirect_vreg.gather [hbm4b:s3+s2], $0x80, v4, vm0, $0xb8;
	[tilespmem:$0x18280] =	vst v63  }
0x26d: {  	v4 =	vld.msk [tilespmem:$0x1A30], $0x3;
	_ =	sdelay $0x4  }
0x26e: {  	v5 =	vshrl.u32 v4, $0x3  }
0x26f: {  	v5 =	vmul.u32 $0x18, v5  }
0x270: {  	v4 =	vand.u32 $0x7, v4  }
0x271: {  	v4 =	vor.u32 v4, v5  }
0x272: {  	v4 =	vperm.xlane v4, v0;
	_ =	sdelay $0x1  }
0x273: {  	v4 =	vadd.s32 v1, v4;
	_ =	sdelay $0x4  }
0x274: {  	[tilespmem:s10], [sflag:$0x2] =	stream.indirect_vreg.gather [hbm4b:s3+s2], $0x80, v4, vm1, $0xb8;
	[tilespmem:$0x18280] =	vst v63  }
0x275: {  	v4 =	vld [tilespmem:$0x1A00];
	_ =	sdelay $0x4  }
0x276: {  	v5 =	vshrl.u32 v4, $0x3  }
0x277: {  	v5 =	vmul.u32 $0x18, v5  }
0x278: {  	v4 =	vand.u32 $0x7, v4  }
0x279: {  	v4 =	vor.u32 v4, v5  }
0x27a: {  	v5 =	vperm.xlane v4, v0;
	_ =	sdelay $0x1  }
0x27b: {  	v4 =	vperm.xlane v4, v2;
	v5 =	vadd.s32 v1, v5;
	_ =	sdelay $0x1  }
0x27c: {  	v4 =	vadd.s32 v1, v4;
	_ =	sdelay $0x2  }
0x27d: {  	[tilespmem:s11], [sflag:$0x2] =	stream.indirect_vreg.gather [hbm4b:s6+s2], $0x80, v5, vm0, $0xb8;
	[tilespmem:$0x18280] =	vst v63  }
0x27e: {  	_ = 	snop  }
0x27f: {  	[tilespmem:s12], [sflag:$0x2] =	stream.indirect_vreg.gather [hbm4b:s6+s2], $0x80, v4, vm0, $0xb8;
	[tilespmem:$0x18280] =	vst v63  }
0x280: {  	v4 =	vld [tilespmem:$0x1A10];
	_ =	sdelay $0x4  }
0x281: {  	v5 =	vshrl.u32 v4, $0x3  }
0x282: {  	v5 =	vmul.u32 $0x18, v5  }
0x283: {  	v4 =	vand.u32 $0x7, v4  }
0x284: {  	v4 =	vor.u32 v4, v5  }
0x285: {  	v5 =	vperm.xlane v4, v0;
	_ =	sdelay $0x1  }
0x286: {  	v4 =	vperm.xlane v4, v2;
	v5 =	vadd.s32 v1, v5;
	_ =	sdelay $0x1  }
0x287: {  	v4 =	vadd.s32 v1, v4;
	_ =	sdelay $0x2  }
0x288: {  	[tilespmem:s13], [sflag:$0x2] =	stream.indirect_vreg.gather [hbm4b:s6+s2], $0x80, v5, vm0, $0xb8;
	[tilespmem:$0x18280] =	vst v63  }
0x289: {  	_ = 	snop  }
0x28a: {  	[tilespmem:s14], [sflag:$0x2] =	stream.indirect_vreg.gather [hbm4b:s6+s2], $0x80, v4, vm0, $0xb8;
	[tilespmem:$0x18280] =	vst v63  }
0x28b: {  	v4 =	vld [tilespmem:$0x1A20];
	_ =	sdelay $0x4  }
0x28c: {  	v5 =	vshrl.u32 v4, $0x3  }
0x28d: {  	v5 =	vmul.u32 $0x18, v5  }
0x28e: {  	v4 =	vand.u32 $0x7, v4  }
0x28f: {  	v4 =	vor.u32 v4, v5  }
0x290: {  	v5 =	vperm.xlane v4, v0;
	_ =	sdelay $0x1  }
0x291: {  	v4 =	vperm.xlane v4, v2;
	v5 =	vadd.s32 v1, v5;
	_ =	sdelay $0x1  }
0x292: {  	v4 =	vadd.s32 v1, v4;
	_ =	sdelay $0x2  }
0x293: {  	[tilespmem:s15], [sflag:$0x2] =	stream.indirect_vreg.gather [hbm4b:s6+s2], $0x80, v5, vm0, $0xb8;
	[tilespmem:$0x18280] =	vst v63  }
0x294: {  	_ = 	snop  }
0x295: {  	[tilespmem:s16], [sflag:$0x2] =	stream.indirect_vreg.gather [hbm4b:s6+s2], $0x80, v4, vm0, $0xb8;
	[tilespmem:$0x18280] =	vst v63  }
0x296: {  	v4 =	vld.msk [tilespmem:$0x1A30], $0x3;
	_ =	sdelay $0x4  }
0x297: {  	v5 =	vshrl.u32 v4, $0x3  }
0x298: {  	v5 =	vmul.u32 $0x18, v5  }
0x299: {  	v4 =	vand.u32 $0x7, v4  }
0x29a: {  	v4 =	vor.u32 v4, v5  }
0x29b: {  	v4 =	vperm.xlane v4, v0;
	_ =	sdelay $0x1  }
0x29c: {  	v4 =	vadd.s32 v1, v4;
	_ =	sdelay $0x4  }
0x29d: {  	[tilespmem:s17], [sflag:$0x2] =	stream.indirect_vreg.gather [hbm4b:s6+s2], $0x80, v4, vm1, $0xb8;
	[tilespmem:$0x18280] =	vst v63  }
0x29e: {  	v4 =	vld [tilespmem:$0x1A00];
	_ =	sdelay $0x4  }
0x29f: {  	v5 =	vperm.xlane v4, v0;
	_ =	sdelay $0x1  }
0x2a0: {  	v4 =	vperm.xlane v4, v2;
	v5 =	vadd.s32 v1, v5;
	_ =	sdelay $0x1  }
0x2a1: {  	v4 =	vadd.s32 v1, v4;
	_ =	sdelay $0x2  }
0x2a2: {  	[tilespmem:s18], [sflag:$0x2] =	stream.indirect_vreg.gather [hbm4b:s4+s2], $0x80, v5, vm0, $0xb8;
	[tilespmem:$0x18280] =	vst v63  }
0x2a3: {  	_ = 	snop  }
0x2a4: {  	[tilespmem:s19], [sflag:$0x2] =	stream.indirect_vreg.gather [hbm4b:s4+s2], $0x80, v4, vm0, $0xb8;
	[tilespmem:$0x18280] =	vst v63  }
0x2a5: {  	v4 =	vld [tilespmem:$0x1A10];
	_ =	sdelay $0x4  }
0x2a6: {  	v5 =	vperm.xlane v4, v0;
	_ =	sdelay $0x1  }
0x2a7: {  	v4 =	vperm.xlane v4, v2;
	v5 =	vadd.s32 v1, v5;
	_ =	sdelay $0x1  }
0x2a8: {  	v4 =	vadd.s32 v1, v4;
	_ =	sdelay $0x2  }
0x2a9: {  	[tilespmem:s20], [sflag:$0x2] =	stream.indirect_vreg.gather [hbm4b:s4+s2], $0x80, v5, vm0, $0xb8;
	[tilespmem:$0x18280] =	vst v63  }
0x2aa: {  	_ = 	snop  }
0x2ab: {  	[tilespmem:s21], [sflag:$0x2] =	stream.indirect_vreg.gather [hbm4b:s4+s2], $0x80, v4, vm0, $0xb8;
	[tilespmem:$0x18280] =	vst v63  }
0x2ac: {  	v4 =	vld [tilespmem:$0x1A20];
	_ =	sdelay $0x4  }
0x2ad: {  	v5 =	vperm.xlane v4, v0;
	_ =	sdelay $0x1  }
0x2ae: {  	v4 =	vperm.xlane v4, v2;
	v5 =	vadd.s32 v1, v5;
	_ =	sdelay $0x1  }
0x2af: {  	v4 =	vadd.s32 v1, v4;
	_ =	sdelay $0x2  }
0x2b0: {  	[tilespmem:s22], [sflag:$0x2] =	stream.indirect_vreg.gather [hbm4b:s4+s2], $0x80, v5, vm0, $0xb8;
	[tilespmem:$0x18280] =	vst v63  }
0x2b1: {  	_ = 	snop  }
0x2b2: {  	[tilespmem:s23], [sflag:$0x2] =	stream.indirect_vreg.gather [hbm4b:s4+s2], $0x80, v4, vm0, $0xb8;
	[tilespmem:$0x18280] =	vst v63  }
0x2b3: {  	v4 =	vld.msk [tilespmem:$0x1A30], $0x3;
	_ =	sdelay $0x4  }
0x2b4: {  	v4 =	vperm.xlane v4, v0;
	_ =	sdelay $0x1  }
0x2b5: {  	v4 =	vadd.s32 v1, v4  }
.Ltmp6:
0x2b6: {  	_ = 	snop;
	(pc) =	sbr.rel .LBB2_2-.Ltmp6, $3  }
0x2b7: {  	_ =	sdelay $0x1  }
0x2b8: {  	s28 =	sadd.s32 $0x1, s28  }
0x2b9: {  	[tilespmem:s24], [sflag:$0x2] =	stream.indirect_vreg.gather [hbm4b:s4+s2], $0x80, v4, vm1, $0xb8;
	[tilespmem:$0x18280] =	vst v63  }
.LBB2_11:
0x2ba: {  	_ =	sfence.sel $0x180000  }
0x2bb: {  	[bflag:$0x0] =	sbarrier.arrive $0xFFFF  }
0x2bc: {  	_ =	strace $0x90000047  }
0x2bd: {  	s0 =	stileid.u32;
	[bflag:$0x2] =	sbarrier.arrive $0xFFFF  }
0x2be: {  	p0 =	sne.s32 s0, $0x0;
	s0 =	rddreg [dreg:$0x1]  }
0x2bf: {  	s0 =	sadd.s32 @!p0 $0x100000, s0  }
0x2c0: {  	[sflag:s0] =	ssyncadd.tile.s32 @!p0 $0x1;
	_ =	shalt  }
.Lfunc_end2:
_tile_overlayer_lowered:
.L_overlay_start_2:
0x2c1: {  	(tag) =	ssettag $0x2  }
0x2c2: {  	s0 =	rddreg [dreg:$0x0];
	s2 =	stileid.u32  }
0x2c3: {  	s1 =	rddreg [dreg:$0x1];
	p0 =	sne.s32 s2, $0x0  }
0x2c4: {  	s3 =	rddreg [dreg:$0x2];
	[bflag:$0x3] =	sbarrier.arrive $0xFFFF;
	s2 =	simm.s32 @!p0 $0x1C03  }
0x2c5: {  	[timem:s3], [sflag:s2] =	dma.local @!p0 [hbm:s0], s1  }
0x2c6: {  	s0 =	simm.s32 @!p0 $0x3  }
0x2c7: {  	_ =	swait.ge @!p0 [sflag:s0], s1  }
0x2c8: {  	s1 =	ssub.s32 @!p0 $0x0, s1;
	[sflag:s0] =	ssyncset.done @!p0 $0x0  }
0x2c9: {  	[sflag:s0] =	ssyncadd.s32 @!p0 s1  }
0x2ca: {  	[bflag:$0x3] =	sbarrier.arrive $0xFFFF  }
0x2cb: {  	_ =	shalt  }

</sc_bundles>
